<compile_context>
chip_gen: v7x
topology: tpu7x:2x2x1
jax: 0.10.2.dev20260603
libtpu: 0.0.44.dev20260713+nightly
codegen_flags: <defaults>
</compile_context>

<pallas_src>
import functools

import numpy as np
import jax
import jax.numpy as jnp
from jax import lax
from jax.experimental import pallas as pl
from jax.experimental.pallas import tpu as pltpu
from jax.experimental.pallas import tpu_sc as plsc

_VOCAB = 100000
_VP = 100352
_B = 64
_D = 1024
_CH = 3584
_NCH = 28
_NC128 = 784
_NG16 = 6272
_C = 112
_EPS = 1e-5
_NEG = float("-inf")


def _threefry_uniform(n):
    rot = [[13, 15, 26, 6], [17, 29, 16, 24]]
    k1, k2 = np.uint32(0), np.uint32(1)
    ks = [k1, k2, np.uint32(k1 ^ k2 ^ np.uint32(0x1BD11BDA))]

    def rotl(v, r):
        return ((v << np.uint32(r)) | (v >> np.uint32(32 - r))).astype(np.uint32)

    x0 = np.zeros(n, np.uint32)
    x1 = np.arange(n, dtype=np.uint32)
    x0 = (x0 + ks[0]).astype(np.uint32)
    x1 = (x1 + ks[1]).astype(np.uint32)
    for i in range(5):
        for r in rot[i % 2]:
            x0 = (x0 + x1).astype(np.uint32)
            x1 = rotl(x1, r)
            x1 = (x1 ^ x0).astype(np.uint32)
        x0 = (x0 + ks[(i + 1) % 3]).astype(np.uint32)
        x1 = (x1 + ks[(i + 2) % 3] + np.uint32(i + 1)).astype(np.uint32)
    bits = (x0 ^ x1).astype(np.uint32)
    fb = (bits >> np.uint32(9)) | np.uint32(0x3F800000)
    fl = fb.view(np.float32) - np.float32(1.0)
    tiny = np.float32(np.finfo(np.float32).tiny)
    return np.maximum(tiny, (fl + tiny).astype(np.float32))


_U_CONST = np.pad(
    _threefry_uniform(_B * _VOCAB).reshape(_B, _VOCAB),
    ((0, 0), (0, _VP - _VOCAB)), constant_values=0.5)



def _sc_gather(table, idx, n_idx, width, rows_per_batch, n_workers,
               tc_tiling=True):
    mesh = plsc.VectorSubcoreMesh(core_axis_name="c", subcore_axis_name="s")
    per_w = n_idx // n_workers
    n_batch = per_w // rows_per_batch

    @functools.partial(
        pl.kernel, mesh=mesh,
        out_type=jax.ShapeDtypeStruct((n_idx, width), jnp.float32),
        scratch_types=[
            pltpu.VMEM((rows_per_batch,), jnp.int32),
            pltpu.VMEM((rows_per_batch, width), jnp.float32),
            pltpu.SemaphoreType.DMA,
        ],
        compiler_params=pltpu.CompilerParams(use_tc_tiling_on_sc=tc_tiling),
    )
    def k(table_hbm, idx_hbm, out_hbm, idx_v, rows_v, sem):
        wid = lax.axis_index("s") * 2 + lax.axis_index("c")

        @pl.when(wid < n_workers)
        def _():
            base = wid * per_w
            for b in range(n_batch):
                off = base + b * rows_per_batch
                pltpu.sync_copy(idx_hbm.at[pl.ds(off, rows_per_batch)], idx_v)
                pltpu.async_copy(table_hbm.at[idx_v], rows_v, sem).wait()
                pltpu.sync_copy(rows_v, out_hbm.at[pl.ds(off, rows_per_batch)])

    return k(table, idx)



def _k1_body(h_ref, emb_ref, t_ref, slog_ref, idx1_ref, m_ref, macc):
    lg = lax.dot_general(h_ref[...], emb_ref[...], (((1,), (1,)), ((), ())),
                         preferred_element_type=jnp.float32)
    slog = lg / t_ref[...]
    j = pl.program_id(0)
    gi = j * _CH + lax.broadcasted_iota(jnp.int32, (_B, _CH), 1)
    slog = jnp.where(gi < _VOCAB, slog, _NEG)
    slog_ref[...] = slog

    @pl.when(j == 0)
    def _():
        macc[...] = jnp.full((_B, 896), _NEG, jnp.float32)

    cm = jnp.max(slog.reshape(_B, 28, 128), axis=2)
    placed = pltpu.roll(
        jnp.concatenate(
            [cm, jnp.full((_B, 896 - 28), _NEG, jnp.float32)], axis=1),
        j * 28, axis=1)
    macc[...] = jnp.maximum(macc[...], placed)

    @pl.when(j == _NCH - 1)
    def _():
        vals = macc[...]
        m_ref[...] = jnp.max(vals, axis=1, keepdims=True)
        iota = lax.broadcasted_iota(jnp.int32, (_B, 896), 1)
        ci = lax.broadcasted_iota(jnp.int32, (_B, _C), 1)
        rbase = lax.broadcasted_iota(jnp.int32, (_B, 1), 0) * _NC128

        def body(i, carry):
            vals, idx1 = carry
            m = jnp.max(vals, axis=1, keepdims=True)
            idx = jnp.min(jnp.where(vals >= m, iota, jnp.int32(1 << 30)),
                          axis=1, keepdims=True)
            idx1 = jnp.where(ci == i, rbase + idx, idx1)
            vals = jnp.where(iota == idx, _NEG, vals)
            return vals, idx1

        _, idx1 = lax.fori_loop(0, _C, body,
                                (vals, jnp.zeros((_B, _C), jnp.int32)))
        idx1_ref[...] = idx1


def _k3_body(g1_ref, cid_ref, idx2_ref):
    x = g1_ref[...]
    m16 = jnp.max(x.reshape(_B, _C * 8, 16), axis=-1)
    cid = cid_ref[...] % _NC128
    iota = lax.broadcasted_iota(jnp.int32, (_B, _C * 8), 1)
    ci = lax.broadcasted_iota(jnp.int32, (_B, _C), 1)
    lane = lax.broadcasted_iota(jnp.int32, (_B, _C), 1)
    rbase = lax.broadcasted_iota(jnp.int32, (_B, 1), 0) * _NG16

    def body(i, carry):
        vals, idx2 = carry
        m = jnp.max(vals, axis=1, keepdims=True)
        g = jnp.min(jnp.where(vals >= m, iota, jnp.int32(1 << 30)),
                    axis=1, keepdims=True)
        c = g >> 3
        sub = g & 7
        cidg = jnp.max(jnp.where(lane == c, cid, jnp.int32(-1)),
                       axis=1, keepdims=True)
        idx2 = jnp.where(ci == i, rbase + cidg * 8 + sub, idx2)
        vals = jnp.where(iota == g, _NEG, vals)
        return vals, idx2

    _, idx2 = lax.fori_loop(0, _C, body, (m16, jnp.zeros((_B, _C), jnp.int32)))
    idx2_ref[...] = idx2


def _ks_body(slog_ref, m_ref, s_ref, acc):
    j = pl.program_id(0)
    e = jnp.exp(slog_ref[...] - m_ref[...])
    ps = jnp.sum(e, axis=1, keepdims=True)
    prev = jnp.where(j == 0, 0.0, acc[...])
    acc[...] = prev + ps
    s_ref[...] = acc[...]


def _k4_body(g2_ref, idx2_ref, m_ref, s_ref, tk_ref, tp_ref,
             lcut_ref, icut_ref, tot_ref):
    vals0 = g2_ref[...]
    base16 = (idx2_ref[...] % _NG16) * 16
    vidx = (jnp.broadcast_to(base16[:, :, None], (_B, _C, 16)).reshape(_B, _C * 16)
            + (lax.broadcasted_iota(jnp.int32, (_B, _C * 16), 1) & 15))
    ci = lax.broadcasted_iota(jnp.int32, (_B, _C), 1)

    def body(i, carry):
        vals, cv, cvi = carry
        m = jnp.max(vals, axis=1, keepdims=True)
        vi = jnp.min(jnp.where(vals >= m, vidx, jnp.int32(1 << 30)),
                     axis=1, keepdims=True)
        cv = jnp.where(ci == i, m, cv)
        cvi = jnp.where(ci == i, vi, cvi)
        vals = jnp.where((vals >= m) & (vidx == vi), _NEG, vals)
        return vals, cv, cvi

    _, cv, cvi = lax.fori_loop(
        0, _C, body,
        (vals0, jnp.full((_B, _C), _NEG, jnp.float32),
         jnp.zeros((_B, _C), jnp.int32)))

    p = jnp.exp(cv - m_ref[...]) / s_ref[...]
    tkm1 = tk_ref[...] - 1
    thresh = jnp.max(jnp.where(ci == tkm1, p, _NEG), axis=1, keepdims=True)
    sel = p >= thresh
    sp = jnp.where(sel, p, 0.0)
    cum = sp
    for d in (1, 2, 4, 8, 16, 32, 64):
        cum = cum + jnp.concatenate(
            [jnp.zeros((_B, d), jnp.float32), cum[:, :_C - d]], axis=1)
    shifted_cum = jnp.concatenate(
        [jnp.zeros((_B, 1), jnp.float32), cum[:, :_C - 1]], axis=1)
    kept = sel & jnp.logical_not(shifted_cum > tp_ref[...])
    tot_ref[...] = jnp.sum(jnp.where(kept, p, 0.0), axis=1, keepdims=True)
    lastpos = jnp.max(jnp.where(kept, ci, -1), axis=1, keepdims=True)
    lcut_ref[...] = jnp.max(jnp.where(ci == lastpos, cv, _NEG),
                            axis=1, keepdims=True)
    icut_ref[...] = jnp.max(jnp.where(ci == lastpos, cvi, -1),
                            axis=1, keepdims=True)


def _k5_body(slog_ref, u_ref, m_ref, s_ref, lcut_ref, icut_ref, tot_ref,
             out_ref, tok_ref, bestv, besti):
    j = pl.program_id(0)
    x = slog_ref[...]
    gi = j * _CH + lax.broadcasted_iota(jnp.int32, (_B, _CH), 1)
    valid = gi < _VOCAB
    p = jnp.exp(x - m_ref[...]) / s_ref[...]
    keep = (x > lcut_ref[...]) | ((x == lcut_ref[...]) & (gi <= icut_ref[...]))
    outv = jnp.where(keep & valid, p / tot_ref[...], 0.0)
    out_ref[...] = outv

    g = -jnp.log(-jnp.log(u_ref[...]))
    val = jnp.where(valid, jnp.log(outv + 1e-20) + g, _NEG)
    mv = jnp.max(val, axis=1, keepdims=True)
    mi = jnp.min(jnp.where(val >= mv, gi, jnp.int32(1 << 30)),
                 axis=1, keepdims=True)
    pv = jnp.where(j == 0, _NEG, bestv[...])
    pi = jnp.where(j == 0, 0, besti[...])
    upd = mv > pv
    bestv[...] = jnp.where(upd, mv, pv)
    besti[...] = jnp.where(upd, mi, pi)
    tok_ref[...] = besti[...]


def kernel(hidden_states, embedding, last_token_indices, temperatures,
           top_ps, top_ks):
    lti = last_token_indices.astype(jnp.int32)
    temps_col = jnp.where(temperatures < _EPS, 1.0, temperatures)[:, None]
    tk_col = jnp.clip(top_ks, 1, _VOCAB).astype(jnp.int32)[:, None]
    tp_col = top_ps[:, None]
    u = jnp.asarray(_U_CONST)

    h = _sc_gather(hidden_states, lti, _B, _D, 8, 8)

    slog, idx1, m_col = pl.pallas_call(
        _k1_body,
        grid=(_NCH,),
        in_specs=[
            pl.BlockSpec((_B, _D), lambda j: (0, 0)),
            pl.BlockSpec((_CH, _D), lambda j: (j, 0)),
            pl.BlockSpec((_B, 1), lambda j: (0, 0)),
        ],
        out_specs=[
            pl.BlockSpec((_B, _CH), lambda j: (0, j)),
            pl.BlockSpec((_B, _C), lambda j: (0, 0)),
            pl.BlockSpec((_B, 1), lambda j: (0, 0)),
        ],
        out_shape=[
            jax.ShapeDtypeStruct((_B, _VP), jnp.float32),
            jax.ShapeDtypeStruct((_B, _C), jnp.int32),
            jax.ShapeDtypeStruct((_B, 1), jnp.float32),
        ],
        scratch_shapes=[pltpu.VMEM((_B, 896), jnp.float32)],
        compiler_params=pltpu.CompilerParams(
            dimension_semantics=("arbitrary",)),
    )(h, embedding, temps_col)

    s_col = pl.pallas_call(
        _ks_body,
        grid=(_NCH,),
        in_specs=[
            pl.BlockSpec((_B, _CH), lambda j: (0, j)),
            pl.BlockSpec((_B, 1), lambda j: (0, 0)),
        ],
        out_specs=pl.BlockSpec((_B, 1), lambda j: (0, 0)),
        out_shape=jax.ShapeDtypeStruct((_B, 1), jnp.float32),
        scratch_shapes=[pltpu.VMEM((_B, 1), jnp.float32)],
        compiler_params=pltpu.CompilerParams(
            dimension_semantics=("arbitrary",)),
    )(slog, m_col)

    slog_lin = slog.reshape(_B * _NC128, 128)
    g1 = _sc_gather(slog_lin, idx1.reshape(_B * _C),
                    _B * _C, 128, _C, 32)

    idx2 = pl.pallas_call(
        _k3_body,
        out_shape=jax.ShapeDtypeStruct((_B, _C), jnp.int32),
    )(g1.reshape(_B, _C * 128), idx1)

    g2 = _sc_gather(slog_lin.reshape(_B * _NG16, 16), idx2.reshape(_B * _C),
                    _B * _C, 16, _C, 32, tc_tiling=False)

    lcut, icut, tot = pl.pallas_call(
        _k4_body,
        out_shape=[
            jax.ShapeDtypeStruct((_B, 1), jnp.float32),
            jax.ShapeDtypeStruct((_B, 1), jnp.int32),
            jax.ShapeDtypeStruct((_B, 1), jnp.float32),
        ],
    )(g2.reshape(_B, _C * 16), idx2, m_col, s_col, tk_col, tp_col)

    out, tok = pl.pallas_call(
        _k5_body,
        grid=(_NCH,),
        in_specs=[
            pl.BlockSpec((_B, _CH), lambda j: (0, j)),
            pl.BlockSpec((_B, _CH), lambda j: (0, j)),
            pl.BlockSpec((_B, 1), lambda j: (0, 0)),
            pl.BlockSpec((_B, 1), lambda j: (0, 0)),
            pl.BlockSpec((_B, 1), lambda j: (0, 0)),
            pl.BlockSpec((_B, 1), lambda j: (0, 0)),
            pl.BlockSpec((_B, 1), lambda j: (0, 0)),
        ],
        out_specs=[
            pl.BlockSpec((_B, _CH), lambda j: (0, j)),
            pl.BlockSpec((_B, 1), lambda j: (0, 0)),
        ],
        out_shape=[
            jax.ShapeDtypeStruct((_B, _VOCAB), jnp.float32),
            jax.ShapeDtypeStruct((_B, 1), jnp.int32),
        ],
        scratch_shapes=[pltpu.VMEM((_B, 1), jnp.float32),
                        pltpu.VMEM((_B, 1), jnp.int32)],
        compiler_params=pltpu.CompilerParams(
            dimension_semantics=("arbitrary",)),
    )(slog, u, m_col, s_col, lcut, icut, tot)

    return tok.reshape(_B), out

# --- scband reference (transcript-rebuilt; emitter-appended) ---
"""Pipeline reference for scband-sampler-63050119905678 (READ-ONLY COPY).

The authoritative reference and input builder live on the scoring server;
editing this copy changes nothing except your own understanding.
"""

import jax, jax.numpy as jnp
import numpy as np

VOCAB = 100000
D = 1024
TOTAL = 512
B = 64
EPS = 1e-5


def setup_inputs(seed: int = 0) -> dict:
    key = jax.random.key(seed)
    ks = jax.random.split(key, 6)
    hidden_states = jax.random.normal(ks[0], (TOTAL, D), dtype=jnp.float32)
    embedding = jax.random.normal(ks[1], (VOCAB, D), dtype=jnp.float32) * 0.02
    last_token_indices = jnp.sort(jax.random.randint(ks[2], (B,), 0, TOTAL)).astype(jnp.int64)
    temperatures = jax.random.uniform(ks[3], (B,), dtype=jnp.float32)
    top_ps = jax.random.uniform(ks[4], (B,), dtype=jnp.float32)
    top_ks = jax.random.randint(ks[5], (B,), 1, 101).astype(jnp.int32)
    return {
        'hidden_states': hidden_states,
        'embedding': embedding,
        'last_token_indices': last_token_indices,
        'temperatures': temperatures,
        'top_ps': top_ps,
        'top_ks': top_ks,
    }


def reference(hidden_states, embedding, last_token_indices, temperatures, top_ps, top_ks):
    # _prune_hidden_states: gather last-token rows
    h = jnp.take(hidden_states, last_token_indices, axis=0)
    # _get_logits: project onto vocabulary
    logits = jnp.matmul(h, embedding.T)[:, :VOCAB]
    # temperature scaling (temps < eps treated as 1.0)
    temps = jnp.where(temperatures < EPS, 1.0, temperatures)
    logits = logits / temps[:, None]
    probs = jax.nn.softmax(logits.astype(jnp.float32), axis=-1)
    nb = probs.shape[0]
    # top-k filtering: zero everything below the k-th largest prob per row
    tk = jnp.clip(top_ks, 1, VOCAB)
    sorted_desc = -jnp.sort(-probs, axis=-1)
    thresh = jnp.take_along_axis(sorted_desc, (tk - 1)[:, None].astype(jnp.int32), axis=-1)
    row_probs = jnp.where(probs >= thresh, probs, 0.0)
    # top-p (nucleus) filtering on the top-k-filtered probs
    order = jnp.argsort(-row_probs, axis=-1)
    sp = jnp.take_along_axis(row_probs, order, axis=-1)
    cum = jnp.cumsum(sp, axis=-1)
    m = cum > top_ps[:, None]
    m = jnp.concatenate([jnp.zeros((nb, 1), dtype=bool), m[:, :-1]], axis=-1)
    sp = jnp.where(m, 0.0, sp)
    row_probs = jnp.zeros_like(probs).at[jnp.arange(nb)[:, None], order].set(sp)
    total = jnp.sum(row_probs, axis=-1, keepdims=True)
    fallback = total <= 0
    row_probs = jnp.where(fallback, probs, row_probs / jnp.where(fallback, 1.0, total))
    # multinomial sample (deterministic key stands in for torch.multinomial)
    next_tokens = jax.random.categorical(jax.random.key(1), jnp.log(row_probs + 1e-20), axis=-1)
    return next_tokens, row_probs

if __name__ == "__main__":
    import jax
    _d = setup_inputs()
    print(jax.jit(kernel)(*tuple(_d.values())))

</pallas_src>

<mosaic_0001>
#map = affine_map<(d0, d1) -> (0, 0)>
#map1 = affine_map<(d0, d1) -> (0)>
module attributes {stable_mosaic.version = 14 : i64} {
  func.func @k(%arg0: i32, %arg1: i32, %arg2: memref<512x1024xf32, #tpu.memory_space<hbm>>, %arg3: memref<64xi32, #tpu.memory_space<hbm>>, %arg4: memref<64x1024xf32, #tpu.memory_space<hbm>>, %arg5: memref<8xi32, #tpu.memory_space<vmem>>, %arg6: memref<8x1024xf32, #tpu.memory_space<vmem>>, %arg7: memref<!tpu.dma_semaphore, #tpu.memory_space<semaphore_mem>>) attributes {dimension_semantics = [#tpu.dimension_semantics<core_parallel>, #tpu.dimension_semantics<subcore_parallel>], iteration_bounds = array<i64: 2, 16>, scalar_prefetch = 0 : i64, scratch_operands = 3 : i64, tpu.core_type = #tpu.core_type<sc_vector_subcore>, window_params = [{transform_indices = #map}, {transform_indices = #map1}, {transform_indices = #map}]} {
    %mul3A = arith.constant 2 : i32
    %mul3A_0 = arith.muli %arg1, %mul3A : i32
    %add3A = arith.addi %mul3A_0, %arg0 : i32
    %lt3A = arith.constant 8 : i32
    %lt3A_1 = arith.cmpi slt, %add3A, %lt3A : i32
    %convert_element_type3A = arith.extui %lt3A_1 : i1 to i32
    %cond3A = arith.constant 0 : i32
    %cond3A_2 = arith.cmpi ne, %convert_element_type3A, %cond3A : i32
    scf.if %cond3A_2 {
      %mul3A_3 = arith.constant 8 : i32
      %mul3A_4 = arith.muli %add3A, %mul3A_3 : i32
      %add3A_5 = arith.constant 0 : i32
      %add3A_6 = arith.addi %mul3A_4, %add3A_5 : i32
      "tpu.region"() ({
        %run_scoped3A = tpu.sem_alloc : memref<!tpu.dma_semaphore, #tpu.memory_space<semaphore_mem>>
        %dma_start3A_11 = tpu.memref_slice %arg3[%add3A_6] : memref<64xi32, #tpu.memory_space<hbm>> -> memref<8xi32, #tpu.memory_space<hbm>>
        %dma_start3A_12 = tpu.memref_slice %arg3[%add3A_6] : memref<64xi32, #tpu.memory_space<hbm>> -> memref<8xi32, #tpu.memory_space<hbm>>
        tpu.enqueue_dma source(%dma_start3A_12 : memref<8xi32, #tpu.memory_space<hbm>>) target(%arg5 : memref<8xi32, #tpu.memory_space<vmem>>) target_semaphore(%run_scoped3A : memref<!tpu.dma_semaphore, #tpu.memory_space<semaphore_mem>>)
        %dma_wait3A_13 = tpu.memref_slice %arg3[%add3A_6] : memref<64xi32, #tpu.memory_space<hbm>> -> memref<8xi32, #tpu.memory_space<hbm>>
        %dma_wait3A_14 = tpu.memref_slice %arg3[%add3A_6] : memref<64xi32, #tpu.memory_space<hbm>> -> memref<8xi32, #tpu.memory_space<hbm>>
        tpu.wait_dma2 semaphore(%run_scoped3A : memref<!tpu.dma_semaphore, #tpu.memory_space<semaphore_mem>>) src(%dma_wait3A_14 : memref<8xi32, #tpu.memory_space<hbm>>) dst(%arg5 : memref<8xi32, #tpu.memory_space<vmem>>)
        tpu.yield
      }) : () -> ()
      %dma_start3A = arith.constant 0 : i32
      %dma_start3A_7 = arith.constant 0 : i32
      %dma_start3A_8 = tpu.memref_slice %arg2[%dma_start3A, %dma_start3A_7] : memref<512x1024xf32, #tpu.memory_space<hbm>> -> memref<512x1024xf32, #tpu.memory_space<hbm>>
      tpu.enqueue_indirect_dma source(%dma_start3A_8 : memref<512x1024xf32, #tpu.memory_space<hbm>>) target(%arg6 : memref<8x1024xf32, #tpu.memory_space<vmem>>) offsets(%arg5 : memref<8xi32, #tpu.memory_space<vmem>>) semaphore(%arg7 : memref<!tpu.dma_semaphore, #tpu.memory_space<semaphore_mem>>)
      %dma_wait3A = arith.constant 0 : i32
      %dma_wait3A_9 = arith.constant 0 : i32
      %dma_wait3A_10 = tpu.memref_slice %arg2[%dma_wait3A, %dma_wait3A_9] : memref<512x1024xf32, #tpu.memory_space<hbm>> -> memref<512x1024xf32, #tpu.memory_space<hbm>>
      tpu.wait_indirect_dma semaphore(%arg7 : memref<!tpu.dma_semaphore, #tpu.memory_space<semaphore_mem>>) src(%dma_wait3A_10 : memref<512x1024xf32, #tpu.memory_space<hbm>>) dst(%arg6 : memref<8x1024xf32, #tpu.memory_space<vmem>>)
      "tpu.region"() ({
        %run_scoped3A = tpu.sem_alloc : memref<!tpu.dma_semaphore, #tpu.memory_space<semaphore_mem>>
        %dma_start3A_11 = arith.constant 0 : i32
        %dma_start3A_12 = tpu.memref_slice %arg4[%add3A_6, %dma_start3A_11] : memref<64x1024xf32, #tpu.memory_space<hbm>> -> memref<8x1024xf32, #tpu.memory_space<hbm>>
        %dma_start3A_13 = arith.constant 0 : i32
        %dma_start3A_14 = tpu.memref_slice %arg4[%add3A_6, %dma_start3A_13] : memref<64x1024xf32, #tpu.memory_space<hbm>> -> memref<8x1024xf32, #tpu.memory_space<hbm>>
        tpu.enqueue_dma source(%arg6 : memref<8x1024xf32, #tpu.memory_space<vmem>>) target(%dma_start3A_14 : memref<8x1024xf32, #tpu.memory_space<hbm>>) target_semaphore(%run_scoped3A : memref<!tpu.dma_semaphore, #tpu.memory_space<semaphore_mem>>)
        %dma_wait3A_15 = arith.constant 0 : i32
        %dma_wait3A_16 = tpu.memref_slice %arg4[%add3A_6, %dma_wait3A_15] : memref<64x1024xf32, #tpu.memory_space<hbm>> -> memref<8x1024xf32, #tpu.memory_space<hbm>>
        %dma_wait3A_17 = arith.constant 0 : i32
        %dma_wait3A_18 = tpu.memref_slice %arg4[%add3A_6, %dma_wait3A_17] : memref<64x1024xf32, #tpu.memory_space<hbm>> -> memref<8x1024xf32, #tpu.memory_space<hbm>>
        tpu.wait_dma2 semaphore(%run_scoped3A : memref<!tpu.dma_semaphore, #tpu.memory_space<semaphore_mem>>) src(%arg6 : memref<8x1024xf32, #tpu.memory_space<vmem>>) dst(%dma_wait3A_18 : memref<8x1024xf32, #tpu.memory_space<hbm>>)
        tpu.yield
      }) : () -> ()
    } else {
    }
    return
  }
}

#map = affine_map<(d0, d1) -> (0, 0)>
#map1 = affine_map<(d0, d1) -> (0)>
module attributes {stable_mosaic.version = 14 : i64} {
  func.func @k(%arg0: i32, %arg1: i32, %arg2: memref<50176x128xf32, #tpu.memory_space<hbm>>, %arg3: memref<7168xi32, #tpu.memory_space<hbm>>, %arg4: memref<7168x128xf32, #tpu.memory_space<hbm>>, %arg5: memref<112xi32, #tpu.memory_space<vmem>>, %arg6: memref<112x128xf32, #tpu.memory_space<vmem>>, %arg7: memref<!tpu.dma_semaphore, #tpu.memory_space<semaphore_mem>>) attributes {dimension_semantics = [#tpu.dimension_semantics<core_parallel>, #tpu.dimension_semantics<subcore_parallel>], iteration_bounds = array<i64: 2, 16>, scalar_prefetch = 0 : i64, scratch_operands = 3 : i64, tpu.core_type = #tpu.core_type<sc_vector_subcore>, window_params = [{transform_indices = #map}, {transform_indices = #map1}, {transform_indices = #map}]} {
    %mul3A = arith.constant 2 : i32
    %mul3A_0 = arith.muli %arg1, %mul3A : i32
    %add3A = arith.addi %mul3A_0, %arg0 : i32
    %lt3A = arith.constant 32 : i32
    %lt3A_1 = arith.cmpi slt, %add3A, %lt3A : i32
    %convert_element_type3A = arith.extui %lt3A_1 : i1 to i32
    %cond3A = arith.constant 0 : i32
    %cond3A_2 = arith.cmpi ne, %convert_element_type3A, %cond3A : i32
    scf.if %cond3A_2 {
      %mul3A_3 = arith.constant 224 : i32
      %mul3A_4 = arith.muli %add3A, %mul3A_3 : i32
      %add3A_5 = arith.constant 0 : i32
      %add3A_6 = arith.addi %mul3A_4, %add3A_5 : i32
      "tpu.region"() ({
        %run_scoped3A = tpu.sem_alloc : memref<!tpu.dma_semaphore, #tpu.memory_space<semaphore_mem>>
        %dma_start3A_19 = tpu.memref_slice %arg3[%add3A_6] : memref<7168xi32, #tpu.memory_space<hbm>> -> memref<112xi32, #tpu.memory_space<hbm>>
        %dma_start3A_20 = tpu.memref_slice %arg3[%add3A_6] : memref<7168xi32, #tpu.memory_space<hbm>> -> memref<112xi32, #tpu.memory_space<hbm>>
        tpu.enqueue_dma source(%dma_start3A_20 : memref<112xi32, #tpu.memory_space<hbm>>) target(%arg5 : memref<112xi32, #tpu.memory_space<vmem>>) target_semaphore(%run_scoped3A : memref<!tpu.dma_semaphore, #tpu.memory_space<semaphore_mem>>)
        %dma_wait3A_21 = tpu.memref_slice %arg3[%add3A_6] : memref<7168xi32, #tpu.memory_space<hbm>> -> memref<112xi32, #tpu.memory_space<hbm>>
        %dma_wait3A_22 = tpu.memref_slice %arg3[%add3A_6] : memref<7168xi32, #tpu.memory_space<hbm>> -> memref<112xi32, #tpu.memory_space<hbm>>
        tpu.wait_dma2 semaphore(%run_scoped3A : memref<!tpu.dma_semaphore, #tpu.memory_space<semaphore_mem>>) src(%dma_wait3A_22 : memref<112xi32, #tpu.memory_space<hbm>>) dst(%arg5 : memref<112xi32, #tpu.memory_space<vmem>>)
        tpu.yield
      }) : () -> ()
      %dma_start3A = arith.constant 0 : i32
      %dma_start3A_7 = arith.constant 0 : i32
      %dma_start3A_8 = tpu.memref_slice %arg2[%dma_start3A, %dma_start3A_7] : memref<50176x128xf32, #tpu.memory_space<hbm>> -> memref<50176x128xf32, #tpu.memory_space<hbm>>
      tpu.enqueue_indirect_dma source(%dma_start3A_8 : memref<50176x128xf32, #tpu.memory_space<hbm>>) target(%arg6 : memref<112x128xf32, #tpu.memory_space<vmem>>) offsets(%arg5 : memref<112xi32, #tpu.memory_space<vmem>>) semaphore(%arg7 : memref<!tpu.dma_semaphore, #tpu.memory_space<semaphore_mem>>)
      %dma_wait3A = arith.constant 0 : i32
      %dma_wait3A_9 = arith.constant 0 : i32
      %dma_wait3A_10 = tpu.memref_slice %arg2[%dma_wait3A, %dma_wait3A_9] : memref<50176x128xf32, #tpu.memory_space<hbm>> -> memref<50176x128xf32, #tpu.memory_space<hbm>>
      tpu.wait_indirect_dma semaphore(%arg7 : memref<!tpu.dma_semaphore, #tpu.memory_space<semaphore_mem>>) src(%dma_wait3A_10 : memref<50176x128xf32, #tpu.memory_space<hbm>>) dst(%arg6 : memref<112x128xf32, #tpu.memory_space<vmem>>)
      "tpu.region"() ({
        %run_scoped3A = tpu.sem_alloc : memref<!tpu.dma_semaphore, #tpu.memory_space<semaphore_mem>>
        %dma_start3A_19 = arith.constant 0 : i32
        %dma_start3A_20 = tpu.memref_slice %arg4[%add3A_6, %dma_start3A_19] : memref<7168x128xf32, #tpu.memory_space<hbm>> -> memref<112x128xf32, #tpu.memory_space<hbm>>
        %dma_start3A_21 = arith.constant 0 : i32
        %dma_start3A_22 = tpu.memref_slice %arg4[%add3A_6, %dma_start3A_21] : memref<7168x128xf32, #tpu.memory_space<hbm>> -> memref<112x128xf32, #tpu.memory_space<hbm>>
        tpu.enqueue_dma source(%arg6 : memref<112x128xf32, #tpu.memory_space<vmem>>) target(%dma_start3A_22 : memref<112x128xf32, #tpu.memory_space<hbm>>) target_semaphore(%run_scoped3A : memref<!tpu.dma_semaphore, #tpu.memory_space<semaphore_mem>>)
        %dma_wait3A_23 = arith.constant 0 : i32
        %dma_wait3A_24 = tpu.memref_slice %arg4[%add3A_6, %dma_wait3A_23] : memref<7168x128xf32, #tpu.memory_space<hbm>> -> memref<112x128xf32, #tpu.memory_space<hbm>>
        %dma_wait3A_25 = arith.constant 0 : i32
        %dma_wait3A_26 = tpu.memref_slice %arg4[%add3A_6, %dma_wait3A_25] : memref<7168x128xf32, #tpu.memory_space<hbm>> -> memref<112x128xf32, #tpu.memory_space<hbm>>
        tpu.wait_dma2 semaphore(%run_scoped3A : memref<!tpu.dma_semaphore, #tpu.memory_space<semaphore_mem>>) src(%arg6 : memref<112x128xf32, #tpu.memory_space<vmem>>) dst(%dma_wait3A_26 : memref<112x128xf32, #tpu.memory_space<hbm>>)
        tpu.yield
      }) : () -> ()
      %add3A_11 = arith.constant 112 : i32
      %add3A_12 = arith.addi %mul3A_4, %add3A_11 : i32
      "tpu.region"() ({
        %run_scoped3A = tpu.sem_alloc : memref<!tpu.dma_semaphore, #tpu.memory_space<semaphore_mem>>
        %dma_start3A_19 = tpu.memref_slice %arg3[%add3A_12] : memref<7168xi32, #tpu.memory_space<hbm>> -> memref<112xi32, #tpu.memory_space<hbm>>
        %dma_start3A_20 = tpu.memref_slice %arg3[%add3A_12] : memref<7168xi32, #tpu.memory_space<hbm>> -> memref<112xi32, #tpu.memory_space<hbm>>
        tpu.enqueue_dma source(%dma_start3A_20 : memref<112xi32, #tpu.memory_space<hbm>>) target(%arg5 : memref<112xi32, #tpu.memory_space<vmem>>) target_semaphore(%run_scoped3A : memref<!tpu.dma_semaphore, #tpu.memory_space<semaphore_mem>>)
        %dma_wait3A_21 = tpu.memref_slice %arg3[%add3A_12] : memref<7168xi32, #tpu.memory_space<hbm>> -> memref<112xi32, #tpu.memory_space<hbm>>
        %dma_wait3A_22 = tpu.memref_slice %arg3[%add3A_12] : memref<7168xi32, #tpu.memory_space<hbm>> -> memref<112xi32, #tpu.memory_space<hbm>>
        tpu.wait_dma2 semaphore(%run_scoped3A : memref<!tpu.dma_semaphore, #tpu.memory_space<semaphore_mem>>) src(%dma_wait3A_22 : memref<112xi32, #tpu.memory_space<hbm>>) dst(%arg5 : memref<112xi32, #tpu.memory_space<vmem>>)
        tpu.yield
      }) : () -> ()
      %dma_start3A_13 = arith.constant 0 : i32
      %dma_start3A_14 = arith.constant 0 : i32
      %dma_start3A_15 = tpu.memref_slice %arg2[%dma_start3A_13, %dma_start3A_14] : memref<50176x128xf32, #tpu.memory_space<hbm>> -> memref<50176x128xf32, #tpu.memory_space<hbm>>
      tpu.enqueue_indirect_dma source(%dma_start3A_15 : memref<50176x128xf32, #tpu.memory_space<hbm>>) target(%arg6 : memref<112x128xf32, #tpu.memory_space<vmem>>) offsets(%arg5 : memref<112xi32, #tpu.memory_space<vmem>>) semaphore(%arg7 : memref<!tpu.dma_semaphore, #tpu.memory_space<semaphore_mem>>)
      %dma_wait3A_16 = arith.constant 0 : i32
      %dma_wait3A_17 = arith.constant 0 : i32
      %dma_wait3A_18 = tpu.memref_slice %arg2[%dma_wait3A_16, %dma_wait3A_17] : memref<50176x128xf32, #tpu.memory_space<hbm>> -> memref<50176x128xf32, #tpu.memory_space<hbm>>
      tpu.wait_indirect_dma semaphore(%arg7 : memref<!tpu.dma_semaphore, #tpu.memory_space<semaphore_mem>>) src(%dma_wait3A_18 : memref<50176x128xf32, #tpu.memory_space<hbm>>) dst(%arg6 : memref<112x128xf32, #tpu.memory_space<vmem>>)
      "tpu.region"() ({
        %run_scoped3A = tpu.sem_alloc : memref<!tpu.dma_semaphore, #tpu.memory_space<semaphore_mem>>
        %dma_start3A_19 = arith.constant 0 : i32
        %dma_start3A_20 = tpu.memref_slice %arg4[%add3A_12, %dma_start3A_19] : memref<7168x128xf32, #tpu.memory_space<hbm>> -> memref<112x128xf32, #tpu.memory_space<hbm>>
        %dma_start3A_21 = arith.constant 0 : i32
        %dma_start3A_22 = tpu.memref_slice %arg4[%add3A_12, %dma_start3A_21] : memref<7168x128xf32, #tpu.memory_space<hbm>> -> memref<112x128xf32, #tpu.memory_space<hbm>>
        tpu.enqueue_dma source(%arg6 : memref<112x128xf32, #tpu.memory_space<vmem>>) target(%dma_start3A_22 : memref<112x128xf32, #tpu.memory_space<hbm>>) target_semaphore(%run_scoped3A : memref<!tpu.dma_semaphore, #tpu.memory_space<semaphore_mem>>)
        %dma_wait3A_23 = arith.constant 0 : i32
        %dma_wait3A_24 = tpu.memref_slice %arg4[%add3A_12, %dma_wait3A_23] : memref<7168x128xf32, #tpu.memory_space<hbm>> -> memref<112x128xf32, #tpu.memory_space<hbm>>
        %dma_wait3A_25 = arith.constant 0 : i32
        %dma_wait3A_26 = tpu.memref_slice %arg4[%add3A_12, %dma_wait3A_25] : memref<7168x128xf32, #tpu.memory_space<hbm>> -> memref<112x128xf32, #tpu.memory_space<hbm>>
        tpu.wait_dma2 semaphore(%run_scoped3A : memref<!tpu.dma_semaphore, #tpu.memory_space<semaphore_mem>>) src(%arg6 : memref<112x128xf32, #tpu.memory_space<vmem>>) dst(%dma_wait3A_26 : memref<112x128xf32, #tpu.memory_space<hbm>>)
        tpu.yield
      }) : () -> ()
    } else {
    }
    return
  }
}

#map = affine_map<(d0, d1) -> (0, 0)>
#map1 = affine_map<(d0, d1) -> (0)>
module attributes {stable_mosaic.version = 14 : i64} {
  func.func @k(%arg0: i32, %arg1: i32, %arg2: memref<401408x16xf32, #tpu.memory_space<hbm>>, %arg3: memref<7168xi32, #tpu.memory_space<hbm>>, %arg4: memref<7168x16xf32, #tpu.memory_space<hbm>>, %arg5: memref<112xi32, #tpu.memory_space<vmem>>, %arg6: memref<112x16xf32, #tpu.memory_space<vmem>>, %arg7: memref<!tpu.dma_semaphore, #tpu.memory_space<semaphore_mem>>) attributes {dimension_semantics = [#tpu.dimension_semantics<core_parallel>, #tpu.dimension_semantics<subcore_parallel>], iteration_bounds = array<i64: 2, 16>, scalar_prefetch = 0 : i64, scratch_operands = 3 : i64, tpu.core_type = #tpu.core_type<sc_vector_subcore>, window_params = [{transform_indices = #map}, {transform_indices = #map1}, {transform_indices = #map}]} {
    %mul3A = arith.constant 2 : i32
    %mul3A_0 = arith.muli %arg1, %mul3A : i32
    %add3A = arith.addi %mul3A_0, %arg0 : i32
    %lt3A = arith.constant 32 : i32
    %lt3A_1 = arith.cmpi slt, %add3A, %lt3A : i32
    %convert_element_type3A = arith.extui %lt3A_1 : i1 to i32
    %cond3A = arith.constant 0 : i32
    %cond3A_2 = arith.cmpi ne, %convert_element_type3A, %cond3A : i32
    scf.if %cond3A_2 {
      %mul3A_3 = arith.constant 224 : i32
      %mul3A_4 = arith.muli %add3A, %mul3A_3 : i32
      %add3A_5 = arith.constant 0 : i32
      %add3A_6 = arith.addi %mul3A_4, %add3A_5 : i32
      "tpu.region"() ({
        %run_scoped3A = tpu.sem_alloc : memref<!tpu.dma_semaphore, #tpu.memory_space<semaphore_mem>>
        %dma_start3A_19 = tpu.memref_slice %arg3[%add3A_6] : memref<7168xi32, #tpu.memory_space<hbm>> -> memref<112xi32, #tpu.memory_space<hbm>>
        %dma_start3A_20 = tpu.memref_slice %arg3[%add3A_6] : memref<7168xi32, #tpu.memory_space<hbm>> -> memref<112xi32, #tpu.memory_space<hbm>>
        tpu.enqueue_dma source(%dma_start3A_20 : memref<112xi32, #tpu.memory_space<hbm>>) target(%arg5 : memref<112xi32, #tpu.memory_space<vmem>>) target_semaphore(%run_scoped3A : memref<!tpu.dma_semaphore, #tpu.memory_space<semaphore_mem>>)
        %dma_wait3A_21 = tpu.memref_slice %arg3[%add3A_6] : memref<7168xi32, #tpu.memory_space<hbm>> -> memref<112xi32, #tpu.memory_space<hbm>>
        %dma_wait3A_22 = tpu.memref_slice %arg3[%add3A_6] : memref<7168xi32, #tpu.memory_space<hbm>> -> memref<112xi32, #tpu.memory_space<hbm>>
        tpu.wait_dma2 semaphore(%run_scoped3A : memref<!tpu.dma_semaphore, #tpu.memory_space<semaphore_mem>>) src(%dma_wait3A_22 : memref<112xi32, #tpu.memory_space<hbm>>) dst(%arg5 : memref<112xi32, #tpu.memory_space<vmem>>)
        tpu.yield
      }) : () -> ()
      %dma_start3A = arith.constant 0 : i32
      %dma_start3A_7 = arith.constant 0 : i32
      %dma_start3A_8 = tpu.memref_slice %arg2[%dma_start3A, %dma_start3A_7] : memref<401408x16xf32, #tpu.memory_space<hbm>> -> memref<401408x16xf32, #tpu.memory_space<hbm>>
      tpu.enqueue_indirect_dma source(%dma_start3A_8 : memref<401408x16xf32, #tpu.memory_space<hbm>>) target(%arg6 : memref<112x16xf32, #tpu.memory_space<vmem>>) offsets(%arg5 : memref<112xi32, #tpu.memory_space<vmem>>) semaphore(%arg7 : memref<!tpu.dma_semaphore, #tpu.memory_space<semaphore_mem>>)
      %dma_wait3A = arith.constant 0 : i32
      %dma_wait3A_9 = arith.constant 0 : i32
      %dma_wait3A_10 = tpu.memref_slice %arg2[%dma_wait3A, %dma_wait3A_9] : memref<401408x16xf32, #tpu.memory_space<hbm>> -> memref<401408x16xf32, #tpu.memory_space<hbm>>
      tpu.wait_indirect_dma semaphore(%arg7 : memref<!tpu.dma_semaphore, #tpu.memory_space<semaphore_mem>>) src(%dma_wait3A_10 : memref<401408x16xf32, #tpu.memory_space<hbm>>) dst(%arg6 : memref<112x16xf32, #tpu.memory_space<vmem>>)
      "tpu.region"() ({
        %run_scoped3A = tpu.sem_alloc : memref<!tpu.dma_semaphore, #tpu.memory_space<semaphore_mem>>
        %dma_start3A_19 = arith.constant 0 : i32
        %dma_start3A_20 = tpu.memref_slice %arg4[%add3A_6, %dma_start3A_19] : memref<7168x16xf32, #tpu.memory_space<hbm>> -> memref<112x16xf32, #tpu.memory_space<hbm>>
        %dma_start3A_21 = arith.constant 0 : i32
        %dma_start3A_22 = tpu.memref_slice %arg4[%add3A_6, %dma_start3A_21] : memref<7168x16xf32, #tpu.memory_space<hbm>> -> memref<112x16xf32, #tpu.memory_space<hbm>>
        tpu.enqueue_dma source(%arg6 : memref<112x16xf32, #tpu.memory_space<vmem>>) target(%dma_start3A_22 : memref<112x16xf32, #tpu.memory_space<hbm>>) target_semaphore(%run_scoped3A : memref<!tpu.dma_semaphore, #tpu.memory_space<semaphore_mem>>)
        %dma_wait3A_23 = arith.constant 0 : i32
        %dma_wait3A_24 = tpu.memref_slice %arg4[%add3A_6, %dma_wait3A_23] : memref<7168x16xf32, #tpu.memory_space<hbm>> -> memref<112x16xf32, #tpu.memory_space<hbm>>
        %dma_wait3A_25 = arith.constant 0 : i32
        %dma_wait3A_26 = tpu.memref_slice %arg4[%add3A_6, %dma_wait3A_25] : memref<7168x16xf32, #tpu.memory_space<hbm>> -> memref<112x16xf32, #tpu.memory_space<hbm>>
        tpu.wait_dma2 semaphore(%run_scoped3A : memref<!tpu.dma_semaphore, #tpu.memory_space<semaphore_mem>>) src(%arg6 : memref<112x16xf32, #tpu.memory_space<vmem>>) dst(%dma_wait3A_26 : memref<112x16xf32, #tpu.memory_space<hbm>>)
        tpu.yield
      }) : () -> ()
      %add3A_11 = arith.constant 112 : i32
      %add3A_12 = arith.addi %mul3A_4, %add3A_11 : i32
      "tpu.region"() ({
        %run_scoped3A = tpu.sem_alloc : memref<!tpu.dma_semaphore, #tpu.memory_space<semaphore_mem>>
        %dma_start3A_19 = tpu.memref_slice %arg3[%add3A_12] : memref<7168xi32, #tpu.memory_space<hbm>> -> memref<112xi32, #tpu.memory_space<hbm>>
        %dma_start3A_20 = tpu.memref_slice %arg3[%add3A_12] : memref<7168xi32, #tpu.memory_space<hbm>> -> memref<112xi32, #tpu.memory_space<hbm>>
        tpu.enqueue_dma source(%dma_start3A_20 : memref<112xi32, #tpu.memory_space<hbm>>) target(%arg5 : memref<112xi32, #tpu.memory_space<vmem>>) target_semaphore(%run_scoped3A : memref<!tpu.dma_semaphore, #tpu.memory_space<semaphore_mem>>)
        %dma_wait3A_21 = tpu.memref_slice %arg3[%add3A_12] : memref<7168xi32, #tpu.memory_space<hbm>> -> memref<112xi32, #tpu.memory_space<hbm>>
        %dma_wait3A_22 = tpu.memref_slice %arg3[%add3A_12] : memref<7168xi32, #tpu.memory_space<hbm>> -> memref<112xi32, #tpu.memory_space<hbm>>
        tpu.wait_dma2 semaphore(%run_scoped3A : memref<!tpu.dma_semaphore, #tpu.memory_space<semaphore_mem>>) src(%dma_wait3A_22 : memref<112xi32, #tpu.memory_space<hbm>>) dst(%arg5 : memref<112xi32, #tpu.memory_space<vmem>>)
        tpu.yield
      }) : () -> ()
      %dma_start3A_13 = arith.constant 0 : i32
      %dma_start3A_14 = arith.constant 0 : i32
      %dma_start3A_15 = tpu.memref_slice %arg2[%dma_start3A_13, %dma_start3A_14] : memref<401408x16xf32, #tpu.memory_space<hbm>> -> memref<401408x16xf32, #tpu.memory_space<hbm>>
      tpu.enqueue_indirect_dma source(%dma_start3A_15 : memref<401408x16xf32, #tpu.memory_space<hbm>>) target(%arg6 : memref<112x16xf32, #tpu.memory_space<vmem>>) offsets(%arg5 : memref<112xi32, #tpu.memory_space<vmem>>) semaphore(%arg7 : memref<!tpu.dma_semaphore, #tpu.memory_space<semaphore_mem>>)
      %dma_wait3A_16 = arith.constant 0 : i32
      %dma_wait3A_17 = arith.constant 0 : i32
      %dma_wait3A_18 = tpu.memref_slice %arg2[%dma_wait3A_16, %dma_wait3A_17] : memref<401408x16xf32, #tpu.memory_space<hbm>> -> memref<401408x16xf32, #tpu.memory_space<hbm>>
      tpu.wait_indirect_dma semaphore(%arg7 : memref<!tpu.dma_semaphore, #tpu.memory_space<semaphore_mem>>) src(%dma_wait3A_18 : memref<401408x16xf32, #tpu.memory_space<hbm>>) dst(%arg6 : memref<112x16xf32, #tpu.memory_space<vmem>>)
      "tpu.region"() ({
        %run_scoped3A = tpu.sem_alloc : memref<!tpu.dma_semaphore, #tpu.memory_space<semaphore_mem>>
        %dma_start3A_19 = arith.constant 0 : i32
        %dma_start3A_20 = tpu.memref_slice %arg4[%add3A_12, %dma_start3A_19] : memref<7168x16xf32, #tpu.memory_space<hbm>> -> memref<112x16xf32, #tpu.memory_space<hbm>>
        %dma_start3A_21 = arith.constant 0 : i32
        %dma_start3A_22 = tpu.memref_slice %arg4[%add3A_12, %dma_start3A_21] : memref<7168x16xf32, #tpu.memory_space<hbm>> -> memref<112x16xf32, #tpu.memory_space<hbm>>
        tpu.enqueue_dma source(%arg6 : memref<112x16xf32, #tpu.memory_space<vmem>>) target(%dma_start3A_22 : memref<112x16xf32, #tpu.memory_space<hbm>>) target_semaphore(%run_scoped3A : memref<!tpu.dma_semaphore, #tpu.memory_space<semaphore_mem>>)
        %dma_wait3A_23 = arith.constant 0 : i32
        %dma_wait3A_24 = tpu.memref_slice %arg4[%add3A_12, %dma_wait3A_23] : memref<7168x16xf32, #tpu.memory_space<hbm>> -> memref<112x16xf32, #tpu.memory_space<hbm>>
        %dma_wait3A_25 = arith.constant 0 : i32
        %dma_wait3A_26 = tpu.memref_slice %arg4[%add3A_12, %dma_wait3A_25] : memref<7168x16xf32, #tpu.memory_space<hbm>> -> memref<112x16xf32, #tpu.memory_space<hbm>>
        tpu.wait_dma2 semaphore(%run_scoped3A : memref<!tpu.dma_semaphore, #tpu.memory_space<semaphore_mem>>) src(%arg6 : memref<112x16xf32, #tpu.memory_space<vmem>>) dst(%dma_wait3A_26 : memref<112x16xf32, #tpu.memory_space<hbm>>)
        tpu.yield
      }) : () -> ()
    } else {
    }
    return
  }
}

module attributes {stable_mosaic.version = 14 : i64} {
  func.func @_k1_body(%arg0: i32, %arg1: memref<64x1024xf32, #tpu.memory_space<vmem>>, %arg2: memref<3584x1024xf32, #tpu.memory_space<vmem>>, %arg3: memref<64x1xf32, #tpu.memory_space<vmem>>, %arg4: memref<64x3584xf32, #tpu.memory_space<vmem>>, %arg5: memref<64x112xi32, #tpu.memory_space<vmem>>, %arg6: memref<64x1xf32, #tpu.memory_space<vmem>>, %arg7: memref<64x896xf32, #tpu.memory_space<vmem>>) attributes {dimension_semantics = [#tpu.dimension_semantics<arbitrary>], iteration_bounds = array<i64: 28>, scalar_prefetch = 0 : i64, scratch_operands = 1 : i64, tpu.core_type = #tpu.core_type<tc>, window_params = [{pipeline_mode = #tpu.pipeline_mode<synchronous>, transform_indices = @transform_0, window_bounds = array<i64: 64, 1024>}, {transform_indices = @transform_1, window_bounds = array<i64: 3584, 1024>}, {pipeline_mode = #tpu.pipeline_mode<synchronous>, transform_indices = @transform_2, window_bounds = array<i64: 64, 1>}, {transform_indices = @transform_3, window_bounds = array<i64: 64, 3584>}, {pipeline_mode = #tpu.pipeline_mode<synchronous>, transform_indices = @transform_4, window_bounds = array<i64: 64, 112>}, {pipeline_mode = #tpu.pipeline_mode<synchronous>, transform_indices = @transform_5, window_bounds = array<i64: 64, 1>}]} {
    %get3A = arith.constant 0 : index
    %get3A_0 = arith.constant 0 : index
    %get3A_1 = vector.load %arg1[%get3A, %get3A_0] : memref<64x1024xf32, #tpu.memory_space<vmem>>, vector<64x1024xf32>
    %get3A_2 = arith.constant 0 : index
    %get3A_3 = arith.constant 0 : index
    %get3A_4 = vector.load %arg2[%get3A_2, %get3A_3] : memref<3584x1024xf32, #tpu.memory_space<vmem>>, vector<3584x1024xf32>
    %dot_general3A = arith.constant dense<0.000000e+00> : vector<64x3584xf32>
    %dot_general3A_5 = tpu.matmul %get3A_1, %get3A_4, %dot_general3A {dimension_numbers = #tpu.dot_dimension_numbers<[1], [1], [0], [0], [0, 0, 1, 0], [], []>, transpose_lhs_hint = false} : vector<64x1024xf32>, vector<3584x1024xf32>, vector<64x3584xf32> -> vector<64x3584xf32>
    %get3A_6 = arith.constant 0 : index
    %get3A_7 = arith.constant 0 : index
    %get3A_8 = vector.load %arg3[%get3A_6, %get3A_7] : memref<64x1xf32, #tpu.memory_space<vmem>>, vector<64x1xf32>
    %div3A = vector.broadcast %get3A_8 : vector<64x1xf32> to vector<64x3584xf32>
    %div3A_9 = arith.divf %dot_general3A_5, %div3A : vector<64x3584xf32>
    %mul3A = arith.constant 3584 : i32
    %mul3A_10 = arith.muli %arg0, %mul3A : i32
    %iota3A = tpu.iota {dimensions = array<i32: 1>} : vector<64x3584xi32>
    %add3A = vector.broadcast %mul3A_10 : i32 to vector<64x3584xi32>
    %add3A_11 = arith.addi %add3A, %iota3A : vector<64x3584xi32>
    %lt3A = arith.constant 100000 : i32
    %lt3A_12 = vector.broadcast %lt3A : i32 to vector<64x3584xi32>
    %lt3A_13 = arith.cmpi slt, %add3A_11, %lt3A_12 : vector<64x3584xi32>
    %jit3A = arith.constant 0xFF800000 : f32
    %broadcast_in_dim3A = vector.broadcast %jit3A : f32 to vector<64x3584xf32>
    %select_n3A = arith.select %lt3A_13, %div3A_9, %broadcast_in_dim3A : vector<64x3584xi1>, vector<64x3584xf32>
    %swap3A = arith.constant 0 : index
    %swap3A_14 = arith.constant 0 : index
    %swap3A_15 = vector.load %arg4[%swap3A, %swap3A_14] : memref<64x3584xf32, #tpu.memory_space<vmem>>, vector<64x3584xf32>
    tpu.vector_store %arg4[%swap3A, %swap3A_14], %select_n3A {strides = array<i32>} : memref<64x3584xf32, #tpu.memory_space<vmem>>, vector<64x3584xf32>,
    %eq3A = arith.constant 0 : i32
    %eq3A_16 = arith.cmpi eq, %arg0, %eq3A : i32
    %convert_element_type3A = arith.extui %eq3A_16 : i1 to i32
    %cond3A = arith.constant 0 : i32
    %cond3A_17 = arith.cmpi ne, %convert_element_type3A, %cond3A : i32
    scf.if %cond3A_17 {
      %broadcast_in_dim3A_34 = arith.constant 0xFF800000 : f32
      %broadcast_in_dim3A_35 = vector.broadcast %broadcast_in_dim3A_34 : f32 to vector<64x896xf32>
      %swap3A_36 = arith.constant 0 : index
      %swap3A_37 = arith.constant 0 : index
      %swap3A_38 = vector.load %arg7[%swap3A_36, %swap3A_37] : memref<64x896xf32, #tpu.memory_space<vmem>>, vector<64x896xf32>
      tpu.vector_store %arg7[%swap3A_36, %swap3A_37], %broadcast_in_dim3A_35 {strides = array<i32>} : memref<64x896xf32, #tpu.memory_space<vmem>>, vector<64x896xf32>,
    } else {
    }
    %reshape3A = vector.shape_cast %select_n3A : vector<64x3584xf32> to vector<64x28x128xf32>
    %reduce_max3A = arith.constant dense<0xFF800000> : vector<64x28xf32>
    %reduce_max3A_18 = vector.multi_reduction <maximumf>, %reshape3A, %reduce_max3A [2] : vector<64x28x128xf32> to vector<64x28xf32>
    %broadcast_in_dim3A_19 = arith.constant 0xFF800000 : f32
    %broadcast_in_dim3A_20 = vector.broadcast %broadcast_in_dim3A_19 : f32 to vector<64x868xf32>
    %concatenate3A = tpu.concatenate %reduce_max3A_18, %broadcast_in_dim3A_20 in 1 : vector<64x28xf32>, vector<64x868xf32> -> vector<64x896xf32>
    %mul3A_21 = arith.constant 28 : i32
    %mul3A_22 = arith.muli %arg0, %mul3A_21 : i32
    %roll3A = tpu.dynamic_rotate %concatenate3A by %mul3A_22 dim 1 : vector<64x896xf32>, i32 -> vector<64x896xf32>
    %get3A_23 = arith.constant 0 : index
    %get3A_24 = arith.constant 0 : index
    %get3A_25 = vector.load %arg7[%get3A_23, %get3A_24] : memref<64x896xf32, #tpu.memory_space<vmem>>, vector<64x896xf32>
    %max3A = arith.maximumf %get3A_25, %roll3A : vector<64x896xf32>
    %swap3A_26 = arith.constant 0 : index
    %swap3A_27 = arith.constant 0 : index
    %swap3A_28 = vector.load %arg7[%swap3A_26, %swap3A_27] : memref<64x896xf32, #tpu.memory_space<vmem>>, vector<64x896xf32>
    tpu.vector_store %arg7[%swap3A_26, %swap3A_27], %max3A {strides = array<i32>} : memref<64x896xf32, #tpu.memory_space<vmem>>, vector<64x896xf32>,
    %eq3A_29 = arith.constant 27 : i32
    %eq3A_30 = arith.cmpi eq, %arg0, %eq3A_29 : i32
    %convert_element_type3A_31 = arith.extui %eq3A_30 : i1 to i32
    %cond3A_32 = arith.constant 0 : i32
    %cond3A_33 = arith.cmpi ne, %convert_element_type3A_31, %cond3A_32 : i32
    scf.if %cond3A_33 {
      %get3A_34 = arith.constant 0 : index
      %get3A_35 = arith.constant 0 : index
      %get3A_36 = vector.load %arg7[%get3A_34, %get3A_35] : memref<64x896xf32, #tpu.memory_space<vmem>>, vector<64x896xf32>
      %reduce_max3A_37 = arith.constant dense<0xFF800000> : vector<64xf32>
      %reduce_max3A_38 = vector.multi_reduction <maximumf>, %get3A_36, %reduce_max3A_37 [1] : vector<64x896xf32> to vector<64xf32>
      %broadcast_in_dim3A_39 = vector.shape_cast %reduce_max3A_38 : vector<64xf32> to vector<64x1xf32>
      %swap3A_40 = arith.constant 0 : index
      %swap3A_41 = arith.constant 0 : index
      %swap3A_42 = vector.load %arg6[%swap3A_40, %swap3A_41] : memref<64x1xf32, #tpu.memory_space<vmem>>, vector<64x1xf32>
      tpu.vector_store %arg6[%swap3A_40, %swap3A_41], %broadcast_in_dim3A_39 {strides = array<i32>} : memref<64x1xf32, #tpu.memory_space<vmem>>, vector<64x1xf32>,
      %iota3A_43 = tpu.iota {dimensions = array<i32: 1>} : vector<64x896xi32>
      %iota3A_44 = tpu.iota {dimensions = array<i32: 1>} : vector<64x112xi32>
      %iota3A_45 = tpu.iota {dimensions = array<i32: 0>} : vector<64x1xi32>
      %mul3A_46 = arith.constant 784 : i32
      %mul3A_47 = vector.broadcast %mul3A_46 : i32 to vector<64x1xi32>
      %mul3A_48 = arith.muli %iota3A_45, %mul3A_47 : vector<64x1xi32>
      %broadcast_in_dim3A_49 = arith.constant 0 : i32
      %broadcast_in_dim3A_50 = vector.broadcast %broadcast_in_dim3A_49 : i32 to vector<64x112xi32>
      %scan3A = arith.constant 0 : i32
      %scan3A_51 = arith.constant 112 : i32
      %scan3A_52 = arith.addi %scan3A, %scan3A_51 : i32
      %scan3A_53 = arith.constant 1 : i32
      %scan3A_54:2 = scf.for %scan3A_59 = %scan3A to %scan3A_52 step %scan3A_53 iter_args(%scan3A_60 = %get3A_36, %scan3A_61 = %broadcast_in_dim3A_50) -> (vector<64x896xf32>, vector<64x112xi32>)  : i32 {
        %reduce_max3A_62 = arith.constant dense<0xFF800000> : vector<64xf32>
        %reduce_max3A_63 = vector.multi_reduction <maximumf>, %scan3A_60, %reduce_max3A_62 [1] : vector<64x896xf32> to vector<64xf32>
        %broadcast_in_dim3A_64 = vector.shape_cast %reduce_max3A_63 : vector<64xf32> to vector<64x1xf32>
        %ge3A = vector.broadcast %broadcast_in_dim3A_64 : vector<64x1xf32> to vector<64x896xf32>
        %ge3A_65 = arith.cmpf oge, %scan3A_60, %ge3A : vector<64x896xf32>
        %jit3A_66 = arith.constant 1073741824 : i32
        %broadcast_in_dim3A_67 = vector.broadcast %jit3A_66 : i32 to vector<64x896xi32>
        %select_n3A_68 = arith.select %ge3A_65, %iota3A_43, %broadcast_in_dim3A_67 : vector<64x896xi1>, vector<64x896xi32>
        %reduce_min3A = arith.constant dense<2147483647> : vector<64xi32>
        %reduce_min3A_69 = vector.multi_reduction <minsi>, %select_n3A_68, %reduce_min3A [1] : vector<64x896xi32> to vector<64xi32>
        %broadcast_in_dim3A_70 = vector.shape_cast %reduce_min3A_69 : vector<64xi32> to vector<64x1xi32>
        %eq3A_71 = vector.broadcast %scan3A_59 : i32 to vector<64x112xi32>
        %eq3A_72 = arith.cmpi eq, %iota3A_44, %eq3A_71 : vector<64x112xi32>
        %add3A_73 = arith.addi %mul3A_48, %broadcast_in_dim3A_70 : vector<64x1xi32>
        %broadcast_in_dim3A_74 = vector.shape_cast %add3A_73 : vector<64x1xi32> to vector<64x1xi32>
        %broadcast_in_dim3A_75 = vector.broadcast %broadcast_in_dim3A_74 : vector<64x1xi32> to vector<64x112xi32>
        %select_n3A_76 = arith.select %eq3A_72, %broadcast_in_dim3A_75, %scan3A_61 : vector<64x112xi1>, vector<64x112xi32>
        %eq3A_77 = vector.broadcast %broadcast_in_dim3A_70 : vector<64x1xi32> to vector<64x896xi32>
        %eq3A_78 = arith.cmpi eq, %iota3A_43, %eq3A_77 : vector<64x896xi32>
        %jit3A_79 = arith.constant 0xFF800000 : f32
        %broadcast_in_dim3A_80 = vector.broadcast %jit3A_79 : f32 to vector<64x896xf32>
        %select_n3A_81 = arith.select %eq3A_78, %broadcast_in_dim3A_80, %scan3A_60 : vector<64x896xi1>, vector<64x896xf32>
        scf.yield %select_n3A_81, %select_n3A_76 : vector<64x896xf32>, vector<64x112xi32>
      }
      %scan3A_55 = arith.constant 112 : i32
      %swap3A_56 = arith.constant 0 : index
      %swap3A_57 = arith.constant 0 : index
      %swap3A_58 = vector.load %arg5[%swap3A_56, %swap3A_57] : memref<64x112xi32, #tpu.memory_space<vmem>>, vector<64x112xi32>
      tpu.vector_store %arg5[%swap3A_56, %swap3A_57], %scan3A_54#1 {strides = array<i32>} : memref<64x112xi32, #tpu.memory_space<vmem>>, vector<64x112xi32>,
    } else {
    }
    return
  }
  func.func @transform_0(%arg0: i32) -> (i32, i32) {
    %c0_i32 = arith.constant 0 : i32
    %c0_i32_0 = arith.constant 0 : i32
    %c0_i32_1 = arith.constant 0 : i32
    return %c0_i32, %c0_i32_0 : i32, i32
  }
  func.func @transform_1(%arg0: i32) -> (i32, i32) {
    %c0_i32 = arith.constant 0 : i32
    %c0_i32_0 = arith.constant 0 : i32
    return %arg0, %c0_i32 : i32, i32
  }
  func.func @transform_2(%arg0: i32) -> (i32, i32) {
    %c0_i32 = arith.constant 0 : i32
    %c0_i32_0 = arith.constant 0 : i32
    %c0_i32_1 = arith.constant 0 : i32
    return %c0_i32, %c0_i32_0 : i32, i32
  }
  func.func @transform_3(%arg0: i32) -> (i32, i32) {
    %c0_i32 = arith.constant 0 : i32
    %c0_i32_0 = arith.constant 0 : i32
    return %c0_i32, %arg0 : i32, i32
  }
  func.func @transform_4(%arg0: i32) -> (i32, i32) {
    %c0_i32 = arith.constant 0 : i32
    %c0_i32_0 = arith.constant 0 : i32
    %c0_i32_1 = arith.constant 0 : i32
    return %c0_i32, %c0_i32_0 : i32, i32
  }
  func.func @transform_5(%arg0: i32) -> (i32, i32) {
    %c0_i32 = arith.constant 0 : i32
    %c0_i32_0 = arith.constant 0 : i32
    %c0_i32_1 = arith.constant 0 : i32
    return %c0_i32, %c0_i32_0 : i32, i32
  }
}

module attributes {stable_mosaic.version = 14 : i64} {
  func.func @_k3_body(%arg0: memref<64x14336xf32, #tpu.memory_space<vmem>>, %arg1: memref<64x112xi32, #tpu.memory_space<vmem>>, %arg2: memref<64x112xi32, #tpu.memory_space<vmem>>) attributes {dimension_semantics = [], scalar_prefetch = 0 : i64, scratch_operands = 0 : i64, tpu.core_type = #tpu.core_type<tc>} {
    %get3A = arith.constant 0 : index
    %get3A_0 = arith.constant 0 : index
    %get3A_1 = vector.load %arg0[%get3A, %get3A_0] : memref<64x14336xf32, #tpu.memory_space<vmem>>, vector<64x14336xf32>
    %reshape3A = vector.shape_cast %get3A_1 : vector<64x14336xf32> to vector<64x896x16xf32>
    %reduce_max3A = arith.constant dense<0xFF800000> : vector<64x896xf32>
    %reduce_max3A_2 = vector.multi_reduction <maximumf>, %reshape3A, %reduce_max3A [2] : vector<64x896x16xf32> to vector<64x896xf32>
    %get3A_3 = arith.constant 0 : index
    %get3A_4 = arith.constant 0 : index
    %get3A_5 = vector.load %arg1[%get3A_3, %get3A_4] : memref<64x112xi32, #tpu.memory_space<vmem>>, vector<64x112xi32>
    %jit3A = arith.constant 784 : i32
    %eq3A = arith.constant 0 : i32
    %eq3A_6 = arith.cmpi eq, %jit3A, %eq3A : i32
    %jit3A_7 = arith.constant 1 : i32
    %select_n3A = arith.select %eq3A_6, %jit3A_7, %jit3A : i32
    %rem3A = vector.broadcast %select_n3A : i32 to vector<64x112xi32>
    %rem3A_8 = arith.remsi %get3A_5, %rem3A : vector<64x112xi32>
    %ne3A = arith.constant 0 : i32
    %ne3A_9 = vector.broadcast %ne3A : i32 to vector<64x112xi32>
    %ne3A_10 = arith.cmpi ne, %rem3A_8, %ne3A_9 : vector<64x112xi32>
    %lt3A = arith.constant 0 : i32
    %lt3A_11 = vector.broadcast %lt3A : i32 to vector<64x112xi32>
    %lt3A_12 = arith.cmpi slt, %rem3A_8, %lt3A_11 : vector<64x112xi32>
    %lt3A_13 = arith.constant 0 : i32
    %lt3A_14 = arith.cmpi slt, %select_n3A, %lt3A_13 : i32
    %ne3A_15 = vector.broadcast %lt3A_14 : i1 to vector<64x112xi1>
    %ne3A_16 = vector.broadcast %ne3A_15 : vector<64x112xi1> to vector<64x112xi1>
    %ne3A_17 = arith.xori %lt3A_12, %ne3A_16 : vector<64x112xi1>
    %and3A = arith.andi %ne3A_17, %ne3A_10 : vector<64x112xi1>
    %add3A = vector.broadcast %select_n3A : i32 to vector<64x112xi32>
    %add3A_18 = arith.addi %rem3A_8, %add3A : vector<64x112xi32>
    %select_n3A_19 = arith.select %and3A, %add3A_18, %rem3A_8 : vector<64x112xi1>, vector<64x112xi32>
    %iota3A = tpu.iota {dimensions = array<i32: 1>} : vector<64x896xi32>
    %iota3A_20 = tpu.iota {dimensions = array<i32: 1>} : vector<64x112xi32>
    %iota3A_21 = tpu.iota {dimensions = array<i32: 1>} : vector<64x112xi32>
    %iota3A_22 = tpu.iota {dimensions = array<i32: 0>} : vector<64x1xi32>
    %mul3A = arith.constant 6272 : i32
    %mul3A_23 = vector.broadcast %mul3A : i32 to vector<64x1xi32>
    %mul3A_24 = arith.muli %iota3A_22, %mul3A_23 : vector<64x1xi32>
    %broadcast_in_dim3A = arith.constant 0 : i32
    %broadcast_in_dim3A_25 = vector.broadcast %broadcast_in_dim3A : i32 to vector<64x112xi32>
    %scan3A = arith.constant 0 : i32
    %scan3A_26 = arith.constant 112 : i32
    %scan3A_27 = arith.addi %scan3A, %scan3A_26 : i32
    %scan3A_28 = arith.constant 1 : i32
    %scan3A_29:2 = scf.for %scan3A_33 = %scan3A to %scan3A_27 step %scan3A_28 iter_args(%scan3A_34 = %reduce_max3A_2, %scan3A_35 = %broadcast_in_dim3A_25) -> (vector<64x896xf32>, vector<64x112xi32>)  : i32 {
      %reduce_max3A_36 = arith.constant dense<0xFF800000> : vector<64xf32>
      %reduce_max3A_37 = vector.multi_reduction <maximumf>, %scan3A_34, %reduce_max3A_36 [1] : vector<64x896xf32> to vector<64xf32>
      %broadcast_in_dim3A_38 = vector.shape_cast %reduce_max3A_37 : vector<64xf32> to vector<64x1xf32>
      %ge3A = vector.broadcast %broadcast_in_dim3A_38 : vector<64x1xf32> to vector<64x896xf32>
      %ge3A_39 = arith.cmpf oge, %scan3A_34, %ge3A : vector<64x896xf32>
      %jit3A_40 = arith.constant 1073741824 : i32
      %broadcast_in_dim3A_41 = vector.broadcast %jit3A_40 : i32 to vector<64x896xi32>
      %select_n3A_42 = arith.select %ge3A_39, %iota3A, %broadcast_in_dim3A_41 : vector<64x896xi1>, vector<64x896xi32>
      %reduce_min3A = arith.constant dense<2147483647> : vector<64xi32>
      %reduce_min3A_43 = vector.multi_reduction <minsi>, %select_n3A_42, %reduce_min3A [1] : vector<64x896xi32> to vector<64xi32>
      %broadcast_in_dim3A_44 = vector.shape_cast %reduce_min3A_43 : vector<64xi32> to vector<64x1xi32>
      %shift_right_arithmetic3A = arith.constant 3 : i32
      %shift_right_arithmetic3A_45 = vector.broadcast %shift_right_arithmetic3A : i32 to vector<64x1xi32>
      %shift_right_arithmetic3A_46 = arith.shrsi %broadcast_in_dim3A_44, %shift_right_arithmetic3A_45 : vector<64x1xi32>
      %and3A_47 = arith.constant 7 : i32
      %and3A_48 = vector.broadcast %and3A_47 : i32 to vector<64x1xi32>
      %and3A_49 = arith.andi %broadcast_in_dim3A_44, %and3A_48 : vector<64x1xi32>
      %eq3A_50 = vector.broadcast %shift_right_arithmetic3A_46 : vector<64x1xi32> to vector<64x112xi32>
      %eq3A_51 = arith.cmpi eq, %iota3A_21, %eq3A_50 : vector<64x112xi32>
      %jit3A_52 = arith.constant -1 : i32
      %broadcast_in_dim3A_53 = vector.broadcast %jit3A_52 : i32 to vector<64x112xi32>
      %select_n3A_54 = arith.select %eq3A_51, %select_n3A_19, %broadcast_in_dim3A_53 : vector<64x112xi1>, vector<64x112xi32>
      %reduce_max3A_55 = arith.constant dense<-2147483648> : vector<64xi32>
      %reduce_max3A_56 = vector.multi_reduction <maxsi>, %select_n3A_54, %reduce_max3A_55 [1] : vector<64x112xi32> to vector<64xi32>
      %broadcast_in_dim3A_57 = vector.shape_cast %reduce_max3A_56 : vector<64xi32> to vector<64x1xi32>
      %eq3A_58 = vector.broadcast %scan3A_33 : i32 to vector<64x112xi32>
      %eq3A_59 = arith.cmpi eq, %iota3A_20, %eq3A_58 : vector<64x112xi32>
      %mul3A_60 = arith.constant 8 : i32
      %mul3A_61 = vector.broadcast %mul3A_60 : i32 to vector<64x1xi32>
      %mul3A_62 = arith.muli %broadcast_in_dim3A_57, %mul3A_61 : vector<64x1xi32>
      %add3A_63 = arith.addi %mul3A_24, %mul3A_62 : vector<64x1xi32>
      %add3A_64 = arith.addi %add3A_63, %and3A_49 : vector<64x1xi32>
      %broadcast_in_dim3A_65 = vector.shape_cast %add3A_64 : vector<64x1xi32> to vector<64x1xi32>
      %broadcast_in_dim3A_66 = vector.broadcast %broadcast_in_dim3A_65 : vector<64x1xi32> to vector<64x112xi32>
      %select_n3A_67 = arith.select %eq3A_59, %broadcast_in_dim3A_66, %scan3A_35 : vector<64x112xi1>, vector<64x112xi32>
      %eq3A_68 = vector.broadcast %broadcast_in_dim3A_44 : vector<64x1xi32> to vector<64x896xi32>
      %eq3A_69 = arith.cmpi eq, %iota3A, %eq3A_68 : vector<64x896xi32>
      %jit3A_70 = arith.constant 0xFF800000 : f32
      %broadcast_in_dim3A_71 = vector.broadcast %jit3A_70 : f32 to vector<64x896xf32>
      %select_n3A_72 = arith.select %eq3A_69, %broadcast_in_dim3A_71, %scan3A_34 : vector<64x896xi1>, vector<64x896xf32>
      scf.yield %select_n3A_72, %select_n3A_67 : vector<64x896xf32>, vector<64x112xi32>
    }
    %scan3A_30 = arith.constant 112 : i32
    %swap3A = arith.constant 0 : index
    %swap3A_31 = arith.constant 0 : index
    %swap3A_32 = vector.load %arg2[%swap3A, %swap3A_31] : memref<64x112xi32, #tpu.memory_space<vmem>>, vector<64x112xi32>
    tpu.vector_store %arg2[%swap3A, %swap3A_31], %scan3A_29#1 {strides = array<i32>} : memref<64x112xi32, #tpu.memory_space<vmem>>, vector<64x112xi32>,
    return
  }
}

module attributes {stable_mosaic.version = 14 : i64} {
  func.func @_ks_body(%arg0: i32, %arg1: memref<64x3584xf32, #tpu.memory_space<vmem>>, %arg2: memref<64x1xf32, #tpu.memory_space<vmem>>, %arg3: memref<64x1xf32, #tpu.memory_space<vmem>>, %arg4: memref<64x1xf32, #tpu.memory_space<vmem>>) attributes {dimension_semantics = [#tpu.dimension_semantics<arbitrary>], iteration_bounds = array<i64: 28>, scalar_prefetch = 0 : i64, scratch_operands = 1 : i64, tpu.core_type = #tpu.core_type<tc>, window_params = [{transform_indices = @transform_0, window_bounds = array<i64: 64, 3584>}, {pipeline_mode = #tpu.pipeline_mode<synchronous>, transform_indices = @transform_1, window_bounds = array<i64: 64, 1>}, {pipeline_mode = #tpu.pipeline_mode<synchronous>, transform_indices = @transform_2, window_bounds = array<i64: 64, 1>}]} {
    %get3A = arith.constant 0 : index
    %get3A_0 = arith.constant 0 : index
    %get3A_1 = vector.load %arg1[%get3A, %get3A_0] : memref<64x3584xf32, #tpu.memory_space<vmem>>, vector<64x3584xf32>
    %get3A_2 = arith.constant 0 : index
    %get3A_3 = arith.constant 0 : index
    %get3A_4 = vector.load %arg2[%get3A_2, %get3A_3] : memref<64x1xf32, #tpu.memory_space<vmem>>, vector<64x1xf32>
    %sub3A = vector.broadcast %get3A_4 : vector<64x1xf32> to vector<64x3584xf32>
    %sub3A_5 = arith.subf %get3A_1, %sub3A : vector<64x3584xf32>
    %exp3A = math.exp %sub3A_5 : vector<64x3584xf32>
    %reduce_sum3A = arith.constant dense<0.000000e+00> : vector<64xf32>
    %reduce_sum3A_6 = vector.multi_reduction <add>, %exp3A, %reduce_sum3A [1] : vector<64x3584xf32> to vector<64xf32>
    %broadcast_in_dim3A = vector.shape_cast %reduce_sum3A_6 : vector<64xf32> to vector<64x1xf32>
    %eq3A = arith.constant 0 : i32
    %eq3A_7 = arith.cmpi eq, %arg0, %eq3A : i32
    %get3A_8 = arith.constant 0 : index
    %get3A_9 = arith.constant 0 : index
    %get3A_10 = vector.load %arg4[%get3A_8, %get3A_9] : memref<64x1xf32, #tpu.memory_space<vmem>>, vector<64x1xf32>
    %jit3A = arith.constant 0.000000e+00 : f32
    %broadcast_in_dim3A_11 = vector.broadcast %jit3A : f32 to vector<64x1xf32>
    %select_n3A = arith.select %eq3A_7, %broadcast_in_dim3A_11, %get3A_10 : vector<64x1xf32>
    %add3A = arith.addf %select_n3A, %broadcast_in_dim3A : vector<64x1xf32>
    %swap3A = arith.constant 0 : index
    %swap3A_12 = arith.constant 0 : index
    %swap3A_13 = vector.load %arg4[%swap3A, %swap3A_12] : memref<64x1xf32, #tpu.memory_space<vmem>>, vector<64x1xf32>
    tpu.vector_store %arg4[%swap3A, %swap3A_12], %add3A {strides = array<i32>} : memref<64x1xf32, #tpu.memory_space<vmem>>, vector<64x1xf32>,
    %get3A_14 = arith.constant 0 : index
    %get3A_15 = arith.constant 0 : index
    %get3A_16 = vector.load %arg4[%get3A_14, %get3A_15] : memref<64x1xf32, #tpu.memory_space<vmem>>, vector<64x1xf32>
    %swap3A_17 = arith.constant 0 : index
    %swap3A_18 = arith.constant 0 : index
    %swap3A_19 = vector.load %arg3[%swap3A_17, %swap3A_18] : memref<64x1xf32, #tpu.memory_space<vmem>>, vector<64x1xf32>
    tpu.vector_store %arg3[%swap3A_17, %swap3A_18], %get3A_16 {strides = array<i32>} : memref<64x1xf32, #tpu.memory_space<vmem>>, vector<64x1xf32>,
    return
  }
  func.func @transform_0(%arg0: i32) -> (i32, i32) {
    %c0_i32 = arith.constant 0 : i32
    %c0_i32_0 = arith.constant 0 : i32
    return %c0_i32, %arg0 : i32, i32
  }
  func.func @transform_1(%arg0: i32) -> (i32, i32) {
    %c0_i32 = arith.constant 0 : i32
    %c0_i32_0 = arith.constant 0 : i32
    %c0_i32_1 = arith.constant 0 : i32
    return %c0_i32, %c0_i32_0 : i32, i32
  }
  func.func @transform_2(%arg0: i32) -> (i32, i32) {
    %c0_i32 = arith.constant 0 : i32
    %c0_i32_0 = arith.constant 0 : i32
    %c0_i32_1 = arith.constant 0 : i32
    return %c0_i32, %c0_i32_0 : i32, i32
  }
}

module attributes {stable_mosaic.version = 14 : i64} {
  func.func @_k4_body(%arg0: memref<64x1792xf32, #tpu.memory_space<vmem>>, %arg1: memref<64x112xi32, #tpu.memory_space<vmem>>, %arg2: memref<64x1xf32, #tpu.memory_space<vmem>>, %arg3: memref<64x1xf32, #tpu.memory_space<vmem>>, %arg4: memref<64x1xi32, #tpu.memory_space<vmem>>, %arg5: memref<64x1xf32, #tpu.memory_space<vmem>>, %arg6: memref<64x1xf32, #tpu.memory_space<vmem>>, %arg7: memref<64x1xi32, #tpu.memory_space<vmem>>, %arg8: memref<64x1xf32, #tpu.memory_space<vmem>>) attributes {dimension_semantics = [], scalar_prefetch = 0 : i64, scratch_operands = 0 : i64, tpu.core_type = #tpu.core_type<tc>} {
    %get3A = arith.constant 0 : index
    %get3A_0 = arith.constant 0 : index
    %get3A_1 = vector.load %arg0[%get3A, %get3A_0] : memref<64x1792xf32, #tpu.memory_space<vmem>>, vector<64x1792xf32>
    %get3A_2 = arith.constant 0 : index
    %get3A_3 = arith.constant 0 : index
    %get3A_4 = vector.load %arg1[%get3A_2, %get3A_3] : memref<64x112xi32, #tpu.memory_space<vmem>>, vector<64x112xi32>
    %jit3A = arith.constant 6272 : i32
    %eq3A = arith.constant 0 : i32
    %eq3A_5 = arith.cmpi eq, %jit3A, %eq3A : i32
    %jit3A_6 = arith.constant 1 : i32
    %select_n3A = arith.select %eq3A_5, %jit3A_6, %jit3A : i32
    %rem3A = vector.broadcast %select_n3A : i32 to vector<64x112xi32>
    %rem3A_7 = arith.remsi %get3A_4, %rem3A : vector<64x112xi32>
    %ne3A = arith.constant 0 : i32
    %ne3A_8 = vector.broadcast %ne3A : i32 to vector<64x112xi32>
    %ne3A_9 = arith.cmpi ne, %rem3A_7, %ne3A_8 : vector<64x112xi32>
    %lt3A = arith.constant 0 : i32
    %lt3A_10 = vector.broadcast %lt3A : i32 to vector<64x112xi32>
    %lt3A_11 = arith.cmpi slt, %rem3A_7, %lt3A_10 : vector<64x112xi32>
    %lt3A_12 = arith.constant 0 : i32
    %lt3A_13 = arith.cmpi slt, %select_n3A, %lt3A_12 : i32
    %ne3A_14 = vector.broadcast %lt3A_13 : i1 to vector<64x112xi1>
    %ne3A_15 = vector.broadcast %ne3A_14 : vector<64x112xi1> to vector<64x112xi1>
    %ne3A_16 = arith.xori %lt3A_11, %ne3A_15 : vector<64x112xi1>
    %and3A = arith.andi %ne3A_16, %ne3A_9 : vector<64x112xi1>
    %add3A = vector.broadcast %select_n3A : i32 to vector<64x112xi32>
    %add3A_17 = arith.addi %rem3A_7, %add3A : vector<64x112xi32>
    %select_n3A_18 = arith.select %and3A, %add3A_17, %rem3A_7 : vector<64x112xi1>, vector<64x112xi32>
    %mul3A = arith.constant 16 : i32
    %mul3A_19 = vector.broadcast %mul3A : i32 to vector<64x112xi32>
    %mul3A_20 = arith.muli %select_n3A_18, %mul3A_19 : vector<64x112xi32>
    %broadcast_in_dim3A = vector.shape_cast %mul3A_20 : vector<64x112xi32> to vector<64x112x1xi32>
    %broadcast_in_dim3A_21 = vector.shape_cast %broadcast_in_dim3A : vector<64x112x1xi32> to vector<64x112x1xi32>
    %broadcast_in_dim3A_22 = vector.broadcast %broadcast_in_dim3A_21 : vector<64x112x1xi32> to vector<64x112x16xi32>
    %reshape3A = vector.shape_cast %broadcast_in_dim3A_22 : vector<64x112x16xi32> to vector<64x1792xi32>
    %iota3A = tpu.iota {dimensions = array<i32: 1>} : vector<64x1792xi32>
    %and3A_23 = arith.constant 15 : i32
    %and3A_24 = vector.broadcast %and3A_23 : i32 to vector<64x1792xi32>
    %and3A_25 = arith.andi %iota3A, %and3A_24 : vector<64x1792xi32>
    %add3A_26 = arith.addi %reshape3A, %and3A_25 : vector<64x1792xi32>
    %iota3A_27 = tpu.iota {dimensions = array<i32: 1>} : vector<64x112xi32>
    %broadcast_in_dim3A_28 = arith.constant 0xFF800000 : f32
    %broadcast_in_dim3A_29 = vector.broadcast %broadcast_in_dim3A_28 : f32 to vector<64x112xf32>
    %broadcast_in_dim3A_30 = arith.constant 0 : i32
    %broadcast_in_dim3A_31 = vector.broadcast %broadcast_in_dim3A_30 : i32 to vector<64x112xi32>
    %scan3A = arith.constant 0 : i32
    %scan3A_32 = arith.constant 112 : i32
    %scan3A_33 = arith.addi %scan3A, %scan3A_32 : i32
    %scan3A_34 = arith.constant 1 : i32
    %scan3A_35:3 = scf.for %scan3A_140 = %scan3A to %scan3A_33 step %scan3A_34 iter_args(%scan3A_141 = %get3A_1, %scan3A_142 = %broadcast_in_dim3A_29, %scan3A_143 = %broadcast_in_dim3A_31) -> (vector<64x1792xf32>, vector<64x112xf32>, vector<64x112xi32>)  : i32 {
      %reduce_max3A_144 = arith.constant dense<0xFF800000> : vector<64xf32>
      %reduce_max3A_145 = vector.multi_reduction <maximumf>, %scan3A_141, %reduce_max3A_144 [1] : vector<64x1792xf32> to vector<64xf32>
      %broadcast_in_dim3A_146 = vector.shape_cast %reduce_max3A_145 : vector<64xf32> to vector<64x1xf32>
      %ge3A_147 = vector.broadcast %broadcast_in_dim3A_146 : vector<64x1xf32> to vector<64x1792xf32>
      %ge3A_148 = arith.cmpf oge, %scan3A_141, %ge3A_147 : vector<64x1792xf32>
      %jit3A_149 = arith.constant 1073741824 : i32
      %broadcast_in_dim3A_150 = vector.broadcast %jit3A_149 : i32 to vector<64x1792xi32>
      %select_n3A_151 = arith.select %ge3A_148, %add3A_26, %broadcast_in_dim3A_150 : vector<64x1792xi1>, vector<64x1792xi32>
      %reduce_min3A = arith.constant dense<2147483647> : vector<64xi32>
      %reduce_min3A_152 = vector.multi_reduction <minsi>, %select_n3A_151, %reduce_min3A [1] : vector<64x1792xi32> to vector<64xi32>
      %broadcast_in_dim3A_153 = vector.shape_cast %reduce_min3A_152 : vector<64xi32> to vector<64x1xi32>
      %eq3A_154 = vector.broadcast %scan3A_140 : i32 to vector<64x112xi32>
      %eq3A_155 = arith.cmpi eq, %iota3A_27, %eq3A_154 : vector<64x112xi32>
      %broadcast_in_dim3A_156 = vector.shape_cast %broadcast_in_dim3A_146 : vector<64x1xf32> to vector<64x1xf32>
      %broadcast_in_dim3A_157 = vector.broadcast %broadcast_in_dim3A_156 : vector<64x1xf32> to vector<64x112xf32>
      %select_n3A_158 = arith.select %eq3A_155, %broadcast_in_dim3A_157, %scan3A_142 : vector<64x112xi1>, vector<64x112xf32>
      %eq3A_159 = vector.broadcast %scan3A_140 : i32 to vector<64x112xi32>
      %eq3A_160 = arith.cmpi eq, %iota3A_27, %eq3A_159 : vector<64x112xi32>
      %broadcast_in_dim3A_161 = vector.shape_cast %broadcast_in_dim3A_153 : vector<64x1xi32> to vector<64x1xi32>
      %broadcast_in_dim3A_162 = vector.broadcast %broadcast_in_dim3A_161 : vector<64x1xi32> to vector<64x112xi32>
      %select_n3A_163 = arith.select %eq3A_160, %broadcast_in_dim3A_162, %scan3A_143 : vector<64x112xi1>, vector<64x112xi32>
      %ge3A_164 = vector.broadcast %broadcast_in_dim3A_146 : vector<64x1xf32> to vector<64x1792xf32>
      %ge3A_165 = arith.cmpf oge, %scan3A_141, %ge3A_164 : vector<64x1792xf32>
      %eq3A_166 = vector.broadcast %broadcast_in_dim3A_153 : vector<64x1xi32> to vector<64x1792xi32>
      %eq3A_167 = arith.cmpi eq, %add3A_26, %eq3A_166 : vector<64x1792xi32>
      %and3A_168 = arith.andi %ge3A_165, %eq3A_167 : vector<64x1792xi1>
      %jit3A_169 = arith.constant 0xFF800000 : f32
      %broadcast_in_dim3A_170 = vector.broadcast %jit3A_169 : f32 to vector<64x1792xf32>
      %select_n3A_171 = arith.select %and3A_168, %broadcast_in_dim3A_170, %scan3A_141 : vector<64x1792xi1>, vector<64x1792xf32>
      scf.yield %select_n3A_171, %select_n3A_158, %select_n3A_163 : vector<64x1792xf32>, vector<64x112xf32>, vector<64x112xi32>
    }
    %scan3A_36 = arith.constant 112 : i32
    %get3A_37 = arith.constant 0 : index
    %get3A_38 = arith.constant 0 : index
    %get3A_39 = vector.load %arg2[%get3A_37, %get3A_38] : memref<64x1xf32, #tpu.memory_space<vmem>>, vector<64x1xf32>
    %sub3A = vector.broadcast %get3A_39 : vector<64x1xf32> to vector<64x112xf32>
    %sub3A_40 = arith.subf %scan3A_35#1, %sub3A : vector<64x112xf32>
    %exp3A = math.exp %sub3A_40 : vector<64x112xf32>
    %get3A_41 = arith.constant 0 : index
    %get3A_42 = arith.constant 0 : index
    %get3A_43 = vector.load %arg3[%get3A_41, %get3A_42] : memref<64x1xf32, #tpu.memory_space<vmem>>, vector<64x1xf32>
    %div3A = vector.broadcast %get3A_43 : vector<64x1xf32> to vector<64x112xf32>
    %div3A_44 = arith.divf %exp3A, %div3A : vector<64x112xf32>
    %get3A_45 = arith.constant 0 : index
    %get3A_46 = arith.constant 0 : index
    %get3A_47 = vector.load %arg4[%get3A_45, %get3A_46] : memref<64x1xi32, #tpu.memory_space<vmem>>, vector<64x1xi32>
    %sub3A_48 = arith.constant 1 : i32
    %sub3A_49 = vector.broadcast %sub3A_48 : i32 to vector<64x1xi32>
    %sub3A_50 = arith.subi %get3A_47, %sub3A_49 : vector<64x1xi32>
    %eq3A_51 = vector.broadcast %sub3A_50 : vector<64x1xi32> to vector<64x112xi32>
    %eq3A_52 = arith.cmpi eq, %iota3A_27, %eq3A_51 : vector<64x112xi32>
    %jit3A_53 = arith.constant 0xFF800000 : f32
    %broadcast_in_dim3A_54 = vector.broadcast %jit3A_53 : f32 to vector<64x112xf32>
    %select_n3A_55 = arith.select %eq3A_52, %div3A_44, %broadcast_in_dim3A_54 : vector<64x112xi1>, vector<64x112xf32>
    %reduce_max3A = arith.constant dense<0xFF800000> : vector<64xf32>
    %reduce_max3A_56 = vector.multi_reduction <maximumf>, %select_n3A_55, %reduce_max3A [1] : vector<64x112xf32> to vector<64xf32>
    %broadcast_in_dim3A_57 = vector.shape_cast %reduce_max3A_56 : vector<64xf32> to vector<64x1xf32>
    %ge3A = vector.broadcast %broadcast_in_dim3A_57 : vector<64x1xf32> to vector<64x112xf32>
    %ge3A_58 = arith.cmpf oge, %div3A_44, %ge3A : vector<64x112xf32>
    %jit3A_59 = arith.constant 0.000000e+00 : f32
    %broadcast_in_dim3A_60 = vector.broadcast %jit3A_59 : f32 to vector<64x112xf32>
    %select_n3A_61 = arith.select %ge3A_58, %div3A_44, %broadcast_in_dim3A_60 : vector<64x112xi1>, vector<64x112xf32>
    %broadcast_in_dim3A_62 = arith.constant 0.000000e+00 : f32
    %broadcast_in_dim3A_63 = vector.broadcast %broadcast_in_dim3A_62 : f32 to vector<64x1xf32>
    %slice3A = vector.extract_strided_slice %select_n3A_61 {offsets = [0, 0], sizes = [64, 111], strides = [1, 1]} : vector<64x112xf32> to vector<64x111xf32>
    %concatenate3A = tpu.concatenate %broadcast_in_dim3A_63, %slice3A in 1 : vector<64x1xf32>, vector<64x111xf32> -> vector<64x112xf32>
    %add3A_64 = arith.addf %select_n3A_61, %concatenate3A : vector<64x112xf32>
    %broadcast_in_dim3A_65 = arith.constant 0.000000e+00 : f32
    %broadcast_in_dim3A_66 = vector.broadcast %broadcast_in_dim3A_65 : f32 to vector<64x2xf32>
    %slice3A_67 = vector.extract_strided_slice %add3A_64 {offsets = [0, 0], sizes = [64, 110], strides = [1, 1]} : vector<64x112xf32> to vector<64x110xf32>
    %concatenate3A_68 = tpu.concatenate %broadcast_in_dim3A_66, %slice3A_67 in 1 : vector<64x2xf32>, vector<64x110xf32> -> vector<64x112xf32>
    %add3A_69 = arith.addf %add3A_64, %concatenate3A_68 : vector<64x112xf32>
    %broadcast_in_dim3A_70 = arith.constant 0.000000e+00 : f32
    %broadcast_in_dim3A_71 = vector.broadcast %broadcast_in_dim3A_70 : f32 to vector<64x4xf32>
    %slice3A_72 = vector.extract_strided_slice %add3A_69 {offsets = [0, 0], sizes = [64, 108], strides = [1, 1]} : vector<64x112xf32> to vector<64x108xf32>
    %concatenate3A_73 = tpu.concatenate %broadcast_in_dim3A_71, %slice3A_72 in 1 : vector<64x4xf32>, vector<64x108xf32> -> vector<64x112xf32>
    %add3A_74 = arith.addf %add3A_69, %concatenate3A_73 : vector<64x112xf32>
    %broadcast_in_dim3A_75 = arith.constant 0.000000e+00 : f32
    %broadcast_in_dim3A_76 = vector.broadcast %broadcast_in_dim3A_75 : f32 to vector<64x8xf32>
    %slice3A_77 = vector.extract_strided_slice %add3A_74 {offsets = [0, 0], sizes = [64, 104], strides = [1, 1]} : vector<64x112xf32> to vector<64x104xf32>
    %concatenate3A_78 = tpu.concatenate %broadcast_in_dim3A_76, %slice3A_77 in 1 : vector<64x8xf32>, vector<64x104xf32> -> vector<64x112xf32>
    %add3A_79 = arith.addf %add3A_74, %concatenate3A_78 : vector<64x112xf32>
    %broadcast_in_dim3A_80 = arith.constant 0.000000e+00 : f32
    %broadcast_in_dim3A_81 = vector.broadcast %broadcast_in_dim3A_80 : f32 to vector<64x16xf32>
    %slice3A_82 = vector.extract_strided_slice %add3A_79 {offsets = [0, 0], sizes = [64, 96], strides = [1, 1]} : vector<64x112xf32> to vector<64x96xf32>
    %concatenate3A_83 = tpu.concatenate %broadcast_in_dim3A_81, %slice3A_82 in 1 : vector<64x16xf32>, vector<64x96xf32> -> vector<64x112xf32>
    %add3A_84 = arith.addf %add3A_79, %concatenate3A_83 : vector<64x112xf32>
    %broadcast_in_dim3A_85 = arith.constant 0.000000e+00 : f32
    %broadcast_in_dim3A_86 = vector.broadcast %broadcast_in_dim3A_85 : f32 to vector<64x32xf32>
    %slice3A_87 = vector.extract_strided_slice %add3A_84 {offsets = [0, 0], sizes = [64, 80], strides = [1, 1]} : vector<64x112xf32> to vector<64x80xf32>
    %concatenate3A_88 = tpu.concatenate %broadcast_in_dim3A_86, %slice3A_87 in 1 : vector<64x32xf32>, vector<64x80xf32> -> vector<64x112xf32>
    %add3A_89 = arith.addf %add3A_84, %concatenate3A_88 : vector<64x112xf32>
    %broadcast_in_dim3A_90 = arith.constant 0.000000e+00 : f32
    %broadcast_in_dim3A_91 = vector.broadcast %broadcast_in_dim3A_90 : f32 to vector<64x64xf32>
    %slice3A_92 = vector.extract_strided_slice %add3A_89 {offsets = [0, 0], sizes = [64, 48], strides = [1, 1]} : vector<64x112xf32> to vector<64x48xf32>
    %concatenate3A_93 = tpu.concatenate %broadcast_in_dim3A_91, %slice3A_92 in 1 : vector<64x64xf32>, vector<64x48xf32> -> vector<64x112xf32>
    %add3A_94 = arith.addf %add3A_89, %concatenate3A_93 : vector<64x112xf32>
    %broadcast_in_dim3A_95 = arith.constant 0.000000e+00 : f32
    %broadcast_in_dim3A_96 = vector.broadcast %broadcast_in_dim3A_95 : f32 to vector<64x1xf32>
    %slice3A_97 = vector.extract_strided_slice %add3A_94 {offsets = [0, 0], sizes = [64, 111], strides = [1, 1]} : vector<64x112xf32> to vector<64x111xf32>
    %concatenate3A_98 = tpu.concatenate %broadcast_in_dim3A_96, %slice3A_97 in 1 : vector<64x1xf32>, vector<64x111xf32> -> vector<64x112xf32>
    %get3A_99 = arith.constant 0 : index
    %get3A_100 = arith.constant 0 : index
    %get3A_101 = vector.load %arg5[%get3A_99, %get3A_100] : memref<64x1xf32, #tpu.memory_space<vmem>>, vector<64x1xf32>
    %gt3A = vector.broadcast %get3A_101 : vector<64x1xf32> to vector<64x112xf32>
    %gt3A_102 = arith.cmpf ogt, %concatenate3A_98, %gt3A : vector<64x112xf32>
    %not3A = arith.constant dense<true> : vector<64x112xi1>
    %not3A_103 = arith.xori %gt3A_102, %not3A : vector<64x112xi1>
    %and3A_104 = arith.andi %ge3A_58, %not3A_103 : vector<64x112xi1>
    %jit3A_105 = arith.constant 0.000000e+00 : f32
    %broadcast_in_dim3A_106 = vector.broadcast %jit3A_105 : f32 to vector<64x112xf32>
    %select_n3A_107 = arith.select %and3A_104, %div3A_44, %broadcast_in_dim3A_106 : vector<64x112xi1>, vector<64x112xf32>
    %reduce_sum3A = arith.constant dense<0.000000e+00> : vector<64xf32>
    %reduce_sum3A_108 = vector.multi_reduction <add>, %select_n3A_107, %reduce_sum3A [1] : vector<64x112xf32> to vector<64xf32>
    %broadcast_in_dim3A_109 = vector.shape_cast %reduce_sum3A_108 : vector<64xf32> to vector<64x1xf32>
    %swap3A = arith.constant 0 : index
    %swap3A_110 = arith.constant 0 : index
    %swap3A_111 = vector.load %arg8[%swap3A, %swap3A_110] : memref<64x1xf32, #tpu.memory_space<vmem>>, vector<64x1xf32>
    tpu.vector_store %arg8[%swap3A, %swap3A_110], %broadcast_in_dim3A_109 {strides = array<i32>} : memref<64x1xf32, #tpu.memory_space<vmem>>, vector<64x1xf32>,
    %jit3A_112 = arith.constant -1 : i32
    %broadcast_in_dim3A_113 = vector.broadcast %jit3A_112 : i32 to vector<64x112xi32>
    %select_n3A_114 = arith.select %and3A_104, %iota3A_27, %broadcast_in_dim3A_113 : vector<64x112xi1>, vector<64x112xi32>
    %reduce_max3A_115 = arith.constant dense<-2147483648> : vector<64xi32>
    %reduce_max3A_116 = vector.multi_reduction <maxsi>, %select_n3A_114, %reduce_max3A_115 [1] : vector<64x112xi32> to vector<64xi32>
    %broadcast_in_dim3A_117 = vector.shape_cast %reduce_max3A_116 : vector<64xi32> to vector<64x1xi32>
    %eq3A_118 = vector.broadcast %broadcast_in_dim3A_117 : vector<64x1xi32> to vector<64x112xi32>
    %eq3A_119 = arith.cmpi eq, %iota3A_27, %eq3A_118 : vector<64x112xi32>
    %jit3A_120 = arith.constant 0xFF800000 : f32
    %broadcast_in_dim3A_121 = vector.broadcast %jit3A_120 : f32 to vector<64x112xf32>
    %select_n3A_122 = arith.select %eq3A_119, %scan3A_35#1, %broadcast_in_dim3A_121 : vector<64x112xi1>, vector<64x112xf32>
    %reduce_max3A_123 = arith.constant dense<0xFF800000> : vector<64xf32>
    %reduce_max3A_124 = vector.multi_reduction <maximumf>, %select_n3A_122, %reduce_max3A_123 [1] : vector<64x112xf32> to vector<64xf32>
    %broadcast_in_dim3A_125 = vector.shape_cast %reduce_max3A_124 : vector<64xf32> to vector<64x1xf32>
    %swap3A_126 = arith.constant 0 : index
    %swap3A_127 = arith.constant 0 : index
    %swap3A_128 = vector.load %arg6[%swap3A_126, %swap3A_127] : memref<64x1xf32, #tpu.memory_space<vmem>>, vector<64x1xf32>
    tpu.vector_store %arg6[%swap3A_126, %swap3A_127], %broadcast_in_dim3A_125 {strides = array<i32>} : memref<64x1xf32, #tpu.memory_space<vmem>>, vector<64x1xf32>,
    %eq3A_129 = vector.broadcast %broadcast_in_dim3A_117 : vector<64x1xi32> to vector<64x112xi32>
    %eq3A_130 = arith.cmpi eq, %iota3A_27, %eq3A_129 : vector<64x112xi32>
    %jit3A_131 = arith.constant -1 : i32
    %broadcast_in_dim3A_132 = vector.broadcast %jit3A_131 : i32 to vector<64x112xi32>
    %select_n3A_133 = arith.select %eq3A_130, %scan3A_35#2, %broadcast_in_dim3A_132 : vector<64x112xi1>, vector<64x112xi32>
    %reduce_max3A_134 = arith.constant dense<-2147483648> : vector<64xi32>
    %reduce_max3A_135 = vector.multi_reduction <maxsi>, %select_n3A_133, %reduce_max3A_134 [1] : vector<64x112xi32> to vector<64xi32>
    %broadcast_in_dim3A_136 = vector.shape_cast %reduce_max3A_135 : vector<64xi32> to vector<64x1xi32>
    %swap3A_137 = arith.constant 0 : index
    %swap3A_138 = arith.constant 0 : index
    %swap3A_139 = vector.load %arg7[%swap3A_137, %swap3A_138] : memref<64x1xi32, #tpu.memory_space<vmem>>, vector<64x1xi32>
    tpu.vector_store %arg7[%swap3A_137, %swap3A_138], %broadcast_in_dim3A_136 {strides = array<i32>} : memref<64x1xi32, #tpu.memory_space<vmem>>, vector<64x1xi32>,
    return
  }
}

module attributes {stable_mosaic.version = 14 : i64} {
  func.func @_k5_body(%arg0: i32, %arg1: memref<64x3584xf32, #tpu.memory_space<vmem>>, %arg2: memref<64x3584xf32, #tpu.memory_space<vmem>>, %arg3: memref<64x1xf32, #tpu.memory_space<vmem>>, %arg4: memref<64x1xf32, #tpu.memory_space<vmem>>, %arg5: memref<64x1xf32, #tpu.memory_space<vmem>>, %arg6: memref<64x1xi32, #tpu.memory_space<vmem>>, %arg7: memref<64x1xf32, #tpu.memory_space<vmem>>, %arg8: memref<64x3584xf32, #tpu.memory_space<vmem>>, %arg9: memref<64x1xi32, #tpu.memory_space<vmem>>, %arg10: memref<64x1xf32, #tpu.memory_space<vmem>>, %arg11: memref<64x1xi32, #tpu.memory_space<vmem>>) attributes {dimension_semantics = [#tpu.dimension_semantics<arbitrary>], iteration_bounds = array<i64: 28>, scalar_prefetch = 0 : i64, scratch_operands = 2 : i64, tpu.core_type = #tpu.core_type<tc>, window_params = [{transform_indices = @transform_0, window_bounds = array<i64: 64, 3584>}, {transform_indices = @transform_1, window_bounds = array<i64: 64, 3584>}, {pipeline_mode = #tpu.pipeline_mode<synchronous>, transform_indices = @transform_2, window_bounds = array<i64: 64, 1>}, {pipeline_mode = #tpu.pipeline_mode<synchronous>, transform_indices = @transform_3, window_bounds = array<i64: 64, 1>}, {pipeline_mode = #tpu.pipeline_mode<synchronous>, transform_indices = @transform_4, window_bounds = array<i64: 64, 1>}, {pipeline_mode = #tpu.pipeline_mode<synchronous>, transform_indices = @transform_5, window_bounds = array<i64: 64, 1>}, {pipeline_mode = #tpu.pipeline_mode<synchronous>, transform_indices = @transform_6, window_bounds = array<i64: 64, 1>}, {transform_indices = @transform_7, window_bounds = array<i64: 64, 3584>}, {pipeline_mode = #tpu.pipeline_mode<synchronous>, transform_indices = @transform_8, window_bounds = array<i64: 64, 1>}]} {
    %get3A = arith.constant 0 : index
    %get3A_0 = arith.constant 0 : index
    %get3A_1 = vector.load %arg1[%get3A, %get3A_0] : memref<64x3584xf32, #tpu.memory_space<vmem>>, vector<64x3584xf32>
    %mul3A = arith.constant 3584 : i32
    %mul3A_2 = arith.muli %arg0, %mul3A : i32
    %iota3A = tpu.iota {dimensions = array<i32: 1>} : vector<64x3584xi32>
    %add3A = vector.broadcast %mul3A_2 : i32 to vector<64x3584xi32>
    %add3A_3 = arith.addi %add3A, %iota3A : vector<64x3584xi32>
    %lt3A = arith.constant 100000 : i32
    %lt3A_4 = vector.broadcast %lt3A : i32 to vector<64x3584xi32>
    %lt3A_5 = arith.cmpi slt, %add3A_3, %lt3A_4 : vector<64x3584xi32>
    %get3A_6 = arith.constant 0 : index
    %get3A_7 = arith.constant 0 : index
    %get3A_8 = vector.load %arg3[%get3A_6, %get3A_7] : memref<64x1xf32, #tpu.memory_space<vmem>>, vector<64x1xf32>
    %sub3A = vector.broadcast %get3A_8 : vector<64x1xf32> to vector<64x3584xf32>
    %sub3A_9 = arith.subf %get3A_1, %sub3A : vector<64x3584xf32>
    %exp3A = math.exp %sub3A_9 : vector<64x3584xf32>
    %get3A_10 = arith.constant 0 : index
    %get3A_11 = arith.constant 0 : index
    %get3A_12 = vector.load %arg4[%get3A_10, %get3A_11] : memref<64x1xf32, #tpu.memory_space<vmem>>, vector<64x1xf32>
    %div3A = vector.broadcast %get3A_12 : vector<64x1xf32> to vector<64x3584xf32>
    %div3A_13 = arith.divf %exp3A, %div3A : vector<64x3584xf32>
    %get3A_14 = arith.constant 0 : index
    %get3A_15 = arith.constant 0 : index
    %get3A_16 = vector.load %arg5[%get3A_14, %get3A_15] : memref<64x1xf32, #tpu.memory_space<vmem>>, vector<64x1xf32>
    %gt3A = vector.broadcast %get3A_16 : vector<64x1xf32> to vector<64x3584xf32>
    %gt3A_17 = arith.cmpf ogt, %get3A_1, %gt3A : vector<64x3584xf32>
    %get3A_18 = arith.constant 0 : index
    %get3A_19 = arith.constant 0 : index
    %get3A_20 = vector.load %arg5[%get3A_18, %get3A_19] : memref<64x1xf32, #tpu.memory_space<vmem>>, vector<64x1xf32>
    %eq3A = vector.broadcast %get3A_20 : vector<64x1xf32> to vector<64x3584xf32>
    %eq3A_21 = arith.cmpf oeq, %get3A_1, %eq3A : vector<64x3584xf32>
    %get3A_22 = arith.constant 0 : index
    %get3A_23 = arith.constant 0 : index
    %get3A_24 = vector.load %arg6[%get3A_22, %get3A_23] : memref<64x1xi32, #tpu.memory_space<vmem>>, vector<64x1xi32>
    %le3A = vector.broadcast %get3A_24 : vector<64x1xi32> to vector<64x3584xi32>
    %le3A_25 = arith.cmpi sle, %add3A_3, %le3A : vector<64x3584xi32>
    %and3A = arith.andi %eq3A_21, %le3A_25 : vector<64x3584xi1>
    %or3A = arith.ori %gt3A_17, %and3A : vector<64x3584xi1>
    %and3A_26 = arith.andi %or3A, %lt3A_5 : vector<64x3584xi1>
    %get3A_27 = arith.constant 0 : index
    %get3A_28 = arith.constant 0 : index
    %get3A_29 = vector.load %arg7[%get3A_27, %get3A_28] : memref<64x1xf32, #tpu.memory_space<vmem>>, vector<64x1xf32>
    %div3A_30 = vector.broadcast %get3A_29 : vector<64x1xf32> to vector<64x3584xf32>
    %div3A_31 = arith.divf %div3A_13, %div3A_30 : vector<64x3584xf32>
    %jit3A = arith.constant 0.000000e+00 : f32
    %broadcast_in_dim3A = vector.broadcast %jit3A : f32 to vector<64x3584xf32>
    %select_n3A = arith.select %and3A_26, %div3A_31, %broadcast_in_dim3A : vector<64x3584xi1>, vector<64x3584xf32>
    %swap3A = arith.constant 0 : index
    %swap3A_32 = arith.constant 0 : index
    %swap3A_33 = vector.load %arg8[%swap3A, %swap3A_32] : memref<64x3584xf32, #tpu.memory_space<vmem>>, vector<64x3584xf32>
    tpu.vector_store %arg8[%swap3A, %swap3A_32], %select_n3A {strides = array<i32>} : memref<64x3584xf32, #tpu.memory_space<vmem>>, vector<64x3584xf32>,
    %get3A_34 = arith.constant 0 : index
    %get3A_35 = arith.constant 0 : index
    %get3A_36 = vector.load %arg2[%get3A_34, %get3A_35] : memref<64x3584xf32, #tpu.memory_space<vmem>>, vector<64x3584xf32>
    %log3A = math.log %get3A_36 : vector<64x3584xf32>
    %neg3A = arith.constant 0.000000e+00 : f32
    %neg3A_37 = vector.broadcast %neg3A : f32 to vector<64x3584xf32>
    %neg3A_38 = arith.subf %neg3A_37, %log3A : vector<64x3584xf32>
    %log3A_39 = math.log %neg3A_38 : vector<64x3584xf32>
    %neg3A_40 = arith.constant 0.000000e+00 : f32
    %neg3A_41 = vector.broadcast %neg3A_40 : f32 to vector<64x3584xf32>
    %neg3A_42 = arith.subf %neg3A_41, %log3A_39 : vector<64x3584xf32>
    %add3A_43 = arith.constant 9.99999968E-21 : f32
    %add3A_44 = vector.broadcast %add3A_43 : f32 to vector<64x3584xf32>
    %add3A_45 = arith.addf %select_n3A, %add3A_44 : vector<64x3584xf32>
    %log3A_46 = math.log %add3A_45 : vector<64x3584xf32>
    %add3A_47 = arith.addf %log3A_46, %neg3A_42 : vector<64x3584xf32>
    %jit3A_48 = arith.constant 0xFF800000 : f32
    %broadcast_in_dim3A_49 = vector.broadcast %jit3A_48 : f32 to vector<64x3584xf32>
    %select_n3A_50 = arith.select %lt3A_5, %add3A_47, %broadcast_in_dim3A_49 : vector<64x3584xi1>, vector<64x3584xf32>
    %reduce_max3A = arith.constant dense<0xFF800000> : vector<64xf32>
    %reduce_max3A_51 = vector.multi_reduction <maximumf>, %select_n3A_50, %reduce_max3A [1] : vector<64x3584xf32> to vector<64xf32>
    %broadcast_in_dim3A_52 = vector.shape_cast %reduce_max3A_51 : vector<64xf32> to vector<64x1xf32>
    %ge3A = vector.broadcast %broadcast_in_dim3A_52 : vector<64x1xf32> to vector<64x3584xf32>
    %ge3A_53 = arith.cmpf oge, %select_n3A_50, %ge3A : vector<64x3584xf32>
    %jit3A_54 = arith.constant 1073741824 : i32
    %broadcast_in_dim3A_55 = vector.broadcast %jit3A_54 : i32 to vector<64x3584xi32>
    %select_n3A_56 = arith.select %ge3A_53, %add3A_3, %broadcast_in_dim3A_55 : vector<64x3584xi1>, vector<64x3584xi32>
    %reduce_min3A = arith.constant dense<2147483647> : vector<64xi32>
    %reduce_min3A_57 = vector.multi_reduction <minsi>, %select_n3A_56, %reduce_min3A [1] : vector<64x3584xi32> to vector<64xi32>
    %broadcast_in_dim3A_58 = vector.shape_cast %reduce_min3A_57 : vector<64xi32> to vector<64x1xi32>
    %eq3A_59 = arith.constant 0 : i32
    %eq3A_60 = arith.cmpi eq, %arg0, %eq3A_59 : i32
    %get3A_61 = arith.constant 0 : index
    %get3A_62 = arith.constant 0 : index
    %get3A_63 = vector.load %arg10[%get3A_61, %get3A_62] : memref<64x1xf32, #tpu.memory_space<vmem>>, vector<64x1xf32>
    %jit3A_64 = arith.constant 0xFF800000 : f32
    %broadcast_in_dim3A_65 = vector.broadcast %jit3A_64 : f32 to vector<64x1xf32>
    %select_n3A_66 = arith.select %eq3A_60, %broadcast_in_dim3A_65, %get3A_63 : vector<64x1xf32>
    %eq3A_67 = arith.constant 0 : i32
    %eq3A_68 = arith.cmpi eq, %arg0, %eq3A_67 : i32
    %get3A_69 = arith.constant 0 : index
    %get3A_70 = arith.constant 0 : index
    %get3A_71 = vector.load %arg11[%get3A_69, %get3A_70] : memref<64x1xi32, #tpu.memory_space<vmem>>, vector<64x1xi32>
    %jit3A_72 = arith.constant 0 : i32
    %broadcast_in_dim3A_73 = vector.broadcast %jit3A_72 : i32 to vector<64x1xi32>
    %select_n3A_74 = arith.select %eq3A_68, %broadcast_in_dim3A_73, %get3A_71 : vector<64x1xi32>
    %gt3A_75 = arith.cmpf ogt, %broadcast_in_dim3A_52, %select_n3A_66 : vector<64x1xf32>
    %select_n3A_76 = arith.select %gt3A_75, %broadcast_in_dim3A_52, %select_n3A_66 : vector<64x1xi1>, vector<64x1xf32>
    %swap3A_77 = arith.constant 0 : index
    %swap3A_78 = arith.constant 0 : index
    %swap3A_79 = vector.load %arg10[%swap3A_77, %swap3A_78] : memref<64x1xf32, #tpu.memory_space<vmem>>, vector<64x1xf32>
    tpu.vector_store %arg10[%swap3A_77, %swap3A_78], %select_n3A_76 {strides = array<i32>} : memref<64x1xf32, #tpu.memory_space<vmem>>, vector<64x1xf32>,
    %select_n3A_80 = arith.select %gt3A_75, %broadcast_in_dim3A_58, %select_n3A_74 : vector<64x1xi1>, vector<64x1xi32>
    %swap3A_81 = arith.constant 0 : index
    %swap3A_82 = arith.constant 0 : index
    %swap3A_83 = vector.load %arg11[%swap3A_81, %swap3A_82] : memref<64x1xi32, #tpu.memory_space<vmem>>, vector<64x1xi32>
    tpu.vector_store %arg11[%swap3A_81, %swap3A_82], %select_n3A_80 {strides = array<i32>} : memref<64x1xi32, #tpu.memory_space<vmem>>, vector<64x1xi32>,
    %get3A_84 = arith.constant 0 : index
    %get3A_85 = arith.constant 0 : index
    %get3A_86 = vector.load %arg11[%get3A_84, %get3A_85] : memref<64x1xi32, #tpu.memory_space<vmem>>, vector<64x1xi32>
    %swap3A_87 = arith.constant 0 : index
    %swap3A_88 = arith.constant 0 : index
    %swap3A_89 = vector.load %arg9[%swap3A_87, %swap3A_88] : memref<64x1xi32, #tpu.memory_space<vmem>>, vector<64x1xi32>
    tpu.vector_store %arg9[%swap3A_87, %swap3A_88], %get3A_86 {strides = array<i32>} : memref<64x1xi32, #tpu.memory_space<vmem>>, vector<64x1xi32>,
    return
  }
  func.func @transform_0(%arg0: i32) -> (i32, i32) {
    %c0_i32 = arith.constant 0 : i32
    %c0_i32_0 = arith.constant 0 : i32
    return %c0_i32, %arg0 : i32, i32
  }
  func.func @transform_1(%arg0: i32) -> (i32, i32) {
    %c0_i32 = arith.constant 0 : i32
    %c0_i32_0 = arith.constant 0 : i32
    return %c0_i32, %arg0 : i32, i32
  }
  func.func @transform_2(%arg0: i32) -> (i32, i32) {
    %c0_i32 = arith.constant 0 : i32
    %c0_i32_0 = arith.constant 0 : i32
    %c0_i32_1 = arith.constant 0 : i32
    return %c0_i32, %c0_i32_0 : i32, i32
  }
  func.func @transform_3(%arg0: i32) -> (i32, i32) {
    %c0_i32 = arith.constant 0 : i32
    %c0_i32_0 = arith.constant 0 : i32
    %c0_i32_1 = arith.constant 0 : i32
    return %c0_i32, %c0_i32_0 : i32, i32
  }
  func.func @transform_4(%arg0: i32) -> (i32, i32) {
    %c0_i32 = arith.constant 0 : i32
    %c0_i32_0 = arith.constant 0 : i32
    %c0_i32_1 = arith.constant 0 : i32
    return %c0_i32, %c0_i32_0 : i32, i32
  }
  func.func @transform_5(%arg0: i32) -> (i32, i32) {
    %c0_i32 = arith.constant 0 : i32
    %c0_i32_0 = arith.constant 0 : i32
    %c0_i32_1 = arith.constant 0 : i32
    return %c0_i32, %c0_i32_0 : i32, i32
  }
  func.func @transform_6(%arg0: i32) -> (i32, i32) {
    %c0_i32 = arith.constant 0 : i32
    %c0_i32_0 = arith.constant 0 : i32
    %c0_i32_1 = arith.constant 0 : i32
    return %c0_i32, %c0_i32_0 : i32, i32
  }
  func.func @transform_7(%arg0: i32) -> (i32, i32) {
    %c0_i32 = arith.constant 0 : i32
    %c0_i32_0 = arith.constant 0 : i32
    return %c0_i32, %arg0 : i32, i32
  }
  func.func @transform_8(%arg0: i32) -> (i32, i32) {
    %c0_i32 = arith.constant 0 : i32
    %c0_i32_0 = arith.constant 0 : i32
    %c0_i32_1 = arith.constant 0 : i32
    return %c0_i32, %c0_i32_0 : i32, i32
  }
}

</mosaic_0001>

<sc_bundles>
// kernel: kernel.10.cloned.1.call-start
scs
__scs_entry_jumppad:
0x0: {  	(pc) =	sbr.rel $0x88, $3  }
0x1: {  	(tag) =	ssettag $0x0;
	lr =	simm.s32 $0x1  }
0x2: {  	[smem:$0x3F9B] =	sst lr;
	_ =	strace $0xD0000000  }
0x3: {  	_ = 	snop  }
0x4: {  	_ = 	snop  }
0x5: {  	_ = 	snop  }
0x6: {  	_ = 	snop  }
0x7: {  	_ = 	snop  }
__scs_overlays_trampoline_lowered:
0x8: {  	[smem:$0x3FAA] =	sst s0  }
0x9: {  	[smem:$0x3FAB] =	sst s1  }
0xa: {  	[smem:$0x3FAC] =	sst s2  }
0xb: {  	[smem:$0x3FAD] =	sst s3  }
0xc: {  	[smem:$0x3FAE] =	sst s4  }
0xd: {  	[smem:$0x3FAF] =	sst s5  }
0xe: {  	[smem:$0x3FB0] =	sst s6  }
0xf: {  	[smem:$0x3FB1] =	sst s7  }
0x10: {  	[smem:$0x3FB2] =	sst s8  }
0x11: {  	[smem:$0x3FB3] =	sst s9;
	s0 =	simm.s32 @!p0 $0x0  }
0x12: {  	s1 =	sld [smem:$0x3F99];
	s0 =	simm.s32 @p0 $0x1  }
0x13: {  	[smem:$0x3FB4] =	sst s0;
	s0 =	simm.s32 @!p1 $0x0  }
0x14: {  	s2 =	sld [smem:$0x3F98];
	s0 =	simm.s32 @p1 $0x1  }
0x15: {  	[smem:$0x3FB5] =	sst s0;
	s0 =	simm.s32 @!p2 $0x0  }
0x16: {  	s3 =	sld [smem:$0x3FDB];
	s0 =	simm.s32 @p2 $0x1  }
0x17: {  	s4 =	simm.s32 $0x1BF5;
	[smem:$0x3FB7] =	sst s0  }
0x18: {  	s0 =	sld [smem:$0x3F9A];
	_ =	swait.ge [sflag:s4], $0x0  }
0x19: {  	s7 =	sld [smem:$0x3F9B]  }
0x1a: {  	s8 =	sadd.s32 $0xFFFFE003, lr  }
0x1b: {  	s9 =	sadd.s32 $0xFFFFFEF7, lr;
	s5 =	simm.s32 $0xFFFFFFFF;
	p2 =	slt.u32 s8, $0xFFFFF086  }
0x1c: {  	p1 =	slt.u32 s9, $0xF7A;
	s5 =	simm.s32 @!p2 $0x0  }
0x1d: {  	s5 =	simm.s32 @p1 $0x1;
	p0 =	seq.s32 s7, s2  }
0x1e: {  	s7 =	smul.u32 @!p0 $0xF7A, s2;
	p2 =	seq.s32 @!p0 s5, $0x0  }
0x1f: {  	s9 =	smul.u32 $0xF7A, s1;
	s8 =	simm.s32 @!p0 $0x1BF5;
	p2 =	por !p2, p0  }
0x20: {  	[sflag:s8] =	ssyncset.s32 @!p0 $0xFFFFF086;
	s6 =	sadd.s32 @!p0 s3, s7;
	s7 =	simm.s32 @!p0 $0x108  }
0x21: {  	s3 =	sadd.s32 s3, s9;
	s6 =	sadd.s32 @!p0 $0x88, s6;
	s7 =	simm.s32 @p2 $0x1082  }
0x22: {  	[simem:s7], [sflag:s8] =	dma.local @!p0 [hbm:s6], $0xF7A  }
0x23: {  	s9 =	sor.u32 $0xD0000000, s2;
	s6 =	simm.s32 $0x108;
	_ =	swait.ge @!p0 [sflag:s8], $0x0  }
0x24: {  	s3 =	sadd.s32 $0x88, s3;
	s6 =	simm.s32 @!p1 $0x1082;
	[sflag:s4] =	ssyncset.s32 $0xFFFFF086  }
0x25: {  	[simem:s6], [sflag:s4] =	dma.local [hbm:s3], $0xF7A  }
0x26: {  	[smem:$0x3F9B] =	sst s1;
	(tag) =	ssettag s2;
	_ =	strace s9  }
0x27: {  	s1 =	sld [smem:$0x3FAB]  }
0x28: {  	s2 =	sld [smem:$0x3FAC]  }
0x29: {  	s4 =	sld [smem:$0x3FAE]  }
0x2a: {  	p0 =	seq.s32 s5, $0x0;
	s5 =	sld [smem:$0x3FAF]  }
0x2b: {  	s6 =	sld [smem:$0x3FB0]  }
0x2c: {  	s7 =	sld [smem:$0x3FB1]  }
0x2d: {  	s3 =	simm.s32 $0x108;
	s8 =	sld [smem:$0x3FB2]  }
0x2e: {  	s3 =	simm.s32 @!p0 $0x1082;
	s9 =	sld [smem:$0x3FB3]  }
0x2f: {  	lr =	sadd.s32 s0, s3;
	s0 =	sld [smem:$0x3FAA]  }
0x30: {  	s3 =	sld [smem:$0x3FAD]  }
0x31: {  	[smem:$0x3FB6] =	sst s10  }
0x32: {  	s10 =	sld [smem:$0x3FB4];
	_ =	sdelay $0x3  }
0x33: {  	p0 =	seq.s32 s10, $0x1;
	s10 =	sld [smem:$0x3FB6];
	_ =	sdelay $0x3  }
0x34: {  	[smem:$0x3FB6] =	sst s10  }
0x35: {  	s10 =	sld [smem:$0x3FB5];
	_ =	sdelay $0x3  }
0x36: {  	p1 =	seq.s32 s10, $0x1;
	s10 =	sld [smem:$0x3FB6];
	_ =	sdelay $0x3  }
0x37: {  	[smem:$0x3FB6] =	sst s10  }
0x38: {  	s10 =	sld [smem:$0x3FB7]  }
0x39: {  	_ = 	snop;
	(pc) =	sbr.ind lr, $3  }
0x3a: {  	_ = 	snop  }
0x3b: {  	_ = 	snop  }
0x3c: {  	p2 =	seq.s32 s10, $0x1;
	s10 =	sld [smem:$0x3FB6]  }
0x3d: {  	_ =	shalt  }
0x3e: {  	_ =	shalt  }
0x3f: {  	_ =	shalt  }
0x40: {  	_ =	shalt  }
0x41: {  	_ =	shalt  }
0x42: {  	_ =	shalt  }
0x43: {  	_ =	shalt  }
0x44: {  	_ =	shalt  }
0x45: {  	_ =	shalt  }
0x46: {  	_ =	shalt  }
0x47: {  	_ =	shalt  }
0x48: {  	_ =	shalt  }
0x49: {  	_ =	shalt  }
0x4a: {  	_ =	shalt  }
0x4b: {  	_ =	shalt  }
0x4c: {  	_ =	shalt  }
0x4d: {  	_ =	shalt  }
0x4e: {  	_ =	shalt  }
0x4f: {  	_ =	shalt  }
0x50: {  	_ =	shalt  }
0x51: {  	_ =	shalt  }
0x52: {  	_ =	shalt  }
0x53: {  	_ =	shalt  }
0x54: {  	_ =	shalt  }
0x55: {  	_ =	shalt  }
0x56: {  	_ =	shalt  }
0x57: {  	_ =	shalt  }
0x58: {  	_ =	shalt  }
0x59: {  	_ =	shalt  }
0x5a: {  	_ =	shalt  }
0x5b: {  	_ =	shalt  }
0x5c: {  	_ =	shalt  }
0x5d: {  	_ =	shalt  }
0x5e: {  	_ =	shalt  }
0x5f: {  	_ =	shalt  }
0x60: {  	_ =	shalt  }
0x61: {  	_ =	shalt  }
0x62: {  	_ =	shalt  }
0x63: {  	_ =	shalt  }
0x64: {  	_ =	shalt  }
0x65: {  	_ =	shalt  }
0x66: {  	_ =	shalt  }
0x67: {  	_ =	shalt  }
0x68: {  	_ =	shalt  }
0x69: {  	_ =	shalt  }
0x6a: {  	_ =	shalt  }
0x6b: {  	_ =	shalt  }
0x6c: {  	_ =	shalt  }
0x6d: {  	_ =	shalt  }
0x6e: {  	_ =	shalt  }
0x6f: {  	_ =	shalt  }
0x70: {  	_ =	shalt  }
0x71: {  	_ =	shalt  }
0x72: {  	_ =	shalt  }
0x73: {  	_ =	shalt  }
0x74: {  	_ =	shalt  }
0x75: {  	_ =	shalt  }
0x76: {  	_ =	shalt  }
0x77: {  	_ =	shalt  }
0x78: {  	_ =	shalt  }
0x79: {  	_ =	shalt  }
0x7a: {  	_ =	shalt  }
0x7b: {  	_ =	shalt  }
0x7c: {  	_ =	shalt  }
0x7d: {  	_ =	shalt  }
0x7e: {  	_ =	shalt  }
0x7f: {  	_ =	shalt  }
0x80: {  	_ =	shalt  }
0x81: {  	_ =	shalt  }
0x82: {  	_ =	shalt  }
0x83: {  	_ =	shalt  }
0x84: {  	_ =	shalt  }
0x85: {  	_ =	shalt  }
0x86: {  	_ =	shalt  }
0x87: {  	_ =	shalt  }
.Lfunc_end0:
.L_simem_size_0:
called_computation_lowered:
.L_overlay_start_0:
0x88: {  	s2 =	sld [smem:$0x3FD9]  }
0x89: {  	s3 =	sld [smem:$0x3FFE];
	_ =	sdelay $0x1  }
0x8a: {  	s1 =	srdreg.scid  }
0x8b: {  	s0 =	sand.u32 $0x1, s1  }
0x8c: {  	s15 =	sshll.u32 s0, $0xA;
	s2 =	sadd.s32 s3, s2  }
0x8d: {  	s2 =	sadd.s32 s2, s15  }
0x8e: {  	[smem:$0x3FC2] =	sst s2  }
0x8f: {  	_ = 	snop  }
0x90: {  	s2 =	sld [smem:$0x3FD0];
	_ =	sdelay $0x1  }
0x91: {  	s16 =	sld [smem:$0x3FC9]  }
0x92: {  	s5 =	simm.s32 $0xA;
	s6 =	simm.s32 $0x10;
	s4 =	sld [smem:$0x3FC7]  }
0x93: {  	[smem:s6], [sflag:s5] =	dma.local [hbm:s2], $0x1  }
0x94: {  	_ =	swait.eq [sflag:s5], $0x1  }
0x95: {  	[sflag:s5] =	ssyncset.done $0x0  }
0x96: {  	[sflag:s5] =	ssyncadd.s32 $0xFFFFFFFF  }
0x97: {  	s17 =	sld [smem:$0x11];
	(tm) =	ssettm $0x1  }
0x98: {  	s18 =	sld [smem:$0x3FFB];
	_ =	sdelay $0x3  }
0x99: {  	_ =	strace s18  }
0x9a: {  	s5 =	sld [smem:$0x3FFC];
	_ =	sdelay $0x3  }
0x9b: {  	_ =	strace s5  }
0x9c: {  	s5 =	sld [smem:$0x3FFD];
	_ =	sdelay $0x3  }
0x9d: {  	_ =	strace s5  }
0x9e: {  	_ =	strace $0x8FFFFFFF  }
0x9f: {  	s19 =	sld [smem:$0x3FDB];
	_ =	sdelay $0x1  }
0xa0: {  	s20 =	simm.s32 $_scs_section_size  }
0xa1: {  	s7 =	simm.s32 $_size__tile_overlayer_lowered;
	s8 =	simm.s32 $_tile_overlayer_lowered  }
0xa2: {  	s23 =	simm.s32 $0x1BFF;
	s22 =	sshll.u32 s8, $0x1;
	s5 =	sadd.s32 s20, s19  }
0xa3: {  	s9 =	simm.s32 $0x0;
	s21 =	sshll.u32 s7, $0x1;
	s7 =	sadd.s32 s22, s5  }
0xa4: {  	[timem:s9], [sflag:s23] =	dma.local [hbm:s7], s21  }
0xa5: {  	_ =	swait.ge [sflag:s23], s21  }
0xa6: {  	s6 =	ssub.s32 $0x0, s21;
	[sflag:s23] =	ssyncset.done $0x0  }
0xa7: {  	[sflag:s23] =	ssyncadd.s32 s6;
	_ =	sdelay $0x1  }
0xa8: {  	s24 =	simm.s32 $0x1B8B  }
0xa9: {  	_ =	swait.ge [sflag:s24], $0x1  }
0xaa: {  	[sflag:s24] =	ssyncset.done $0x0  }
0xab: {  	s25 =	simm.s32 $0x1B8E;
	[sflag:s24] =	ssyncadd.s32 $0xFFFFFFFF  }
0xac: {  	s26 =	simm.s32 $execute0_lowered;
	[smem:$0x3FD2] =	sst s25  }
0xad: {  	s6 =	sshll.u32 s26, $0x1;
	_ =	strace $0x80000046;
	[dreg:$0x1] =	wrdreg $0xFFFFFFFF  }
0xae: {  	s28 =	simm.s32 $_size_execute0_lowered;
	s5 =	sadd.s32 s5, s6;
	[dreg:$0x0] =	wrdreg $0x0  }
0xaf: {  	s6 =	sshll.u32 s28, $0x1;
	[dreg:$0x2] =	wrdreg s5  }
0xb0: {  	[dreg:$0x3] =	wrdreg s6  }
0xb1: {  	[dreg:$0x4] =	wrdreg $0xC0  }
0xb2: {  	_ =	task [dreg:s9], $0x5FFFF  }
0xb3: {  	[dreg:$0x1] =	wrdreg $0xFFFFFFFF  }
0xb4: {  	[dreg:$0x0] =	wrdreg $0x60  }
0xb5: {  	[dreg:$0x2] =	wrdreg s16  }
0xb6: {  	[dreg:$0x3] =	wrdreg s4  }
0xb7: {  	[dreg:$0x4] =	wrdreg s17  }
0xb8: {  	[dreg:$0x5] =	wrdreg $0x9  }
0xb9: {  	_ =	task.clear_ibuf [dreg:s9], $0x6FFFF;
	_ =	strace $0x90000046  }
0xba: {  	s29 =	simm.s32 $0x9;
	_ =	strace $0x80000048  }
0xbb: {  	_ =	swait.ge [sflag:s29], $0x1  }
0xbc: {  	[sflag:s29] =	ssyncadd.s32 $0xFFFFFFFF  }
0xbd: {  	_ =	strace $0x90000048  }
0xbe: {  	_ =	sfence  }
0xbf: {  	s30 =	sld [smem:$0x0];
	_ =	sdelay $0x2  }
0xc0: {  	s31 =	sshll.u32 s1, $0xD;
	s1 =	sshrl.u32 s1, $0x2  }
0xc1: {  	s3 =	sand.u32 $0x4000, s31;
	s1 =	sadd.s32 s1, s30  }
0xc2: {  	s0 =	sor.u32 s3, s0;
	s1 =	sshll.u32 s1, $0x11  }
0xc3: {  	s0 =	sor.u32 s1, s0  }
0xc4: {  	s0 =	sadd.s32 $0x8F2B, s0  }
0xc5: {  	[sflag:s0] =	ssyncadd.remote.s32 $0x1  }
0xc6: {  	_ =	sfence.sel $0xFFFF  }
0xc7: {  	[dreg:$0x0] =	wrdreg $0xFFFFFFFF;
	(pc) =	sbr.abs _section_cstart, $3  }
0xc8: {  	[dreg:$0x1] =	wrdreg $0xFFFFFFFF  }
0xc9: {  	_ =	task.clear_ibuf [dreg:s9], $0x2FFFF;
	_ =	strace $0x9FFFFFFF  }
0xca: {  	(tm) =	ssettm $0x7FFFFFFF  }
0xcb: {  	_ =	shalt  }
tec
execute0_lowered:
.L_overlay_start_1:
0x0: {  	(tag) =	ssettag $0x1  }
0x1: {  	s1 =	stileid.u32  }
0x2: {  	p0 =	sgt.u32 s1, $0x3  }
.Ltmp0:
0x3: {  	s2 =	rddreg [dreg:$0x0];
	(pc) =	sbr.rel @p0 .LBB2_4-.Ltmp0, $4  }
0x4: {  	s4 =	rddreg [dreg:$0x1]  }
0x5: {  	s14 =	rddreg [dreg:$0x2];
	s3 =	simm.s32 $0x0  }
0x6: {  	[smem:$0x7FF] =	sst s3  }
0x7: {  	s0 =	rddreg [dreg:$0x3];
	_ =	strace $0x80000047  }
0x8: {  	s5 =	srdreg.scid  }
0x9: {  	s30 =	sshll.u32 s1, $0x1;
	s12 =	sand.u32 $0x1, s5  }
0xa: {  	s15 =	sor.u32 s12, s30  }
0xb: {  	s5 =	sadd.s32 s4, s15;
	s4 =	simm.s32 $0x2  }
0xc: {  	[tilespmem:s3], [sflag:$0x2] =	stream.linear.gather [hbm4b:s5+s3], $0x8, $0x38;
	[tilespmem:$0x2080] =	vst v63  }
0xd: {  	_ =	swait.ge [sflag:s4], $0x8  }
0xe: {  	[sflag:s4] =	ssyncset.done $0x0  }
0xf: {  	[sflag:s4] =	ssyncadd.s32 $0xFFFFFFF8  }
0x10: {  	v0 =	vld.msk [tilespmem:$0x0], $0xff;
	_ =	sdelay $0x4  }
0x11: {  	v1 =	vshll.u32 v0, $0x3  }
0x12: {  	v2 =	vlaneseq.u32;
	v3 =	vand.u32 $0x7, v0;
	v1 =	vand.u32 $0xFFFFFFC0, v1  }
0x13: {  	v0 =	vand.u32 $0x7, v2;
	v2 =	vshrl.u32 v2, $0x3;
	v3 =	vor.u32 v3, v1  }
0x14: {  	v1 =	vmul.u32 $0x8, v2;
	v2 =	vperm.xlane v3, v0;
	_ =	sdelay $0x1  }
0x15: {  	v2 =	vadd.s32 v1, v2;
	_ =	sdelay $0x3  }
0x16: {  	vm0 =	vmmov $0xffff;
	s6 =	simm.s32 $0x80;
	s7 =	sadd.s32 $0x100, s2;
	s16 =	ssub.s32 $0x2, s12  }
0x17: {  	[tilespmem:s6], [sflag:$0x1] =	stream.indirect_vreg.gather [hbm4b:s2+s3], $0x80, v2, vm0, $0xb8;
	[tilespmem:$0x2080] =	vst v63  }
0x18: {  	s8 =	simm.s32 $0x880;
	s9 =	sadd.s32 $0x200, s2;
	s17 =	sshrl.u32 s16, $0x1  }
0x19: {  	[tilespmem:s8], [sflag:$0x1] =	stream.indirect_vreg.gather [hbm4b:s7+s3], $0x80, v2, vm0, $0xb8;
	[tilespmem:$0x2080] =	vst v63  }
0x1a: {  	s10 =	sadd.s32 $0x300, s2;
	s11 =	simm.s32 $0x1080;
	s16 =	ssub.s32 s16, s17  }
0x1b: {  	[tilespmem:s11], [sflag:$0x1] =	stream.indirect_vreg.gather [hbm4b:s9+s3], $0x80, v2, vm0, $0xb8;
	[tilespmem:$0x2080] =	vst v63  }
0x1c: {  	s13 =	simm.s32 $0x1;
	s12 =	simm.s32 $0x1880;
	s31 =	smax.u32 s16, $0x1  }
0x1d: {  	[tilespmem:s12], [sflag:$0x1] =	stream.indirect_vreg.gather [hbm4b:s10+s3], $0x80, v2, vm0, $0xb8;
	[tilespmem:$0x2080] =	vst v63  }
0x1e: {  	p0 =	sne.s32 s31, $0x1;
	_ =	swait.ge [sflag:s13], $0x2000  }
.Ltmp1:
0x1f: {  	s15 =	sshll.u32 s15, $0xA;
	[sflag:s13] =	ssyncset.done $0x0;
	(pc) =	sbr.rel @!p0 .LBB2_3-.Ltmp1, $4  }
0x20: {  	s14 =	sadd.s32 s14, s15;
	[sflag:s13] =	ssyncadd.s32 $0xFFFFE000  }
0x21: {  	[hbm4b:s14+s3] =	stream.linear.scatter [tilespmem:s6], [sflag:$0x2], $0x2000, $0x38;
	[tilespmem:$0x2080] =	vst v63  }
0x22: {  	_ =	swait.ge [sflag:s4], $0x2000  }
0x23: {  	s15 =	sadd.s32 $0xFFFFFFFF, s31;
	[sflag:s4] =	ssyncset.done $0x0  }
.LBB2_2:
0x24: {  	p0 =	sne.s32 s15, $0x1;
	s15 =	sadd.s32 $0xFFFFFFFF, s15;
	[sflag:s4] =	ssyncadd.s32 $0xFFFFE000  }
0x25: {  	[tilespmem:s3], [sflag:$0x2] =	stream.linear.gather [hbm4b:s5+s3], $0x8, $0x38;
	[tilespmem:$0x2080] =	vst v63  }
0x26: {  	_ =	swait.ge [sflag:s4], $0x8  }
0x27: {  	[sflag:s4] =	ssyncset.done $0x0  }
0x28: {  	[sflag:s4] =	ssyncadd.s32 $0xFFFFFFF8  }
0x29: {  	v2 =	vld.msk [tilespmem:$0x0], $0xff;
	_ =	sdelay $0x4  }
0x2a: {  	v3 =	vshll.u32 v2, $0x3  }
0x2b: {  	v2 =	vand.u32 $0x7, v2;
	v3 =	vand.u32 $0xFFFFFFC0, v3  }
0x2c: {  	v2 =	vor.u32 v2, v3  }
0x2d: {  	v2 =	vperm.xlane v2, v0;
	_ =	sdelay $0x1  }
0x2e: {  	v2 =	vadd.s32 v1, v2;
	_ =	sdelay $0x4  }
0x2f: {  	[tilespmem:s6], [sflag:$0x1] =	stream.indirect_vreg.gather [hbm4b:s2+s3], $0x80, v2, vm0, $0xb8;
	[tilespmem:$0x2080] =	vst v63  }
0x30: {  	_ = 	snop  }
0x31: {  	[tilespmem:s8], [sflag:$0x1] =	stream.indirect_vreg.gather [hbm4b:s7+s3], $0x80, v2, vm0, $0xb8;
	[tilespmem:$0x2080] =	vst v63  }
0x32: {  	_ = 	snop  }
0x33: {  	[tilespmem:s11], [sflag:$0x1] =	stream.indirect_vreg.gather [hbm4b:s9+s3], $0x80, v2, vm0, $0xb8;
	[tilespmem:$0x2080] =	vst v63  }
0x34: {  	_ = 	snop  }
0x35: {  	[tilespmem:s12], [sflag:$0x1] =	stream.indirect_vreg.gather [hbm4b:s10+s3], $0x80, v2, vm0, $0xb8;
	[tilespmem:$0x2080] =	vst v63  }
0x36: {  	_ =	swait.ge [sflag:s13], $0x2000  }
.Ltmp2:
0x37: {  	[sflag:s13] =	ssyncset.done $0x0;
	(pc) =	sbr.rel @p0 .LBB2_2-.Ltmp2, $4  }
0x38: {  	[sflag:s13] =	ssyncadd.s32 $0xFFFFE000  }
0x39: {  	[hbm4b:s14+s3] =	stream.linear.scatter [tilespmem:s6], [sflag:$0x2], $0x2000, $0x38;
	[tilespmem:$0x2080] =	vst v63  }
0x3a: {  	_ =	swait.ge [sflag:s4], $0x2000  }
0x3b: {  	[sflag:s4] =	ssyncset.done $0x0  }
.LBB2_3:
0x3c: {  	[sflag:s4] =	ssyncadd.s32 $0xFFFFE000  }
.LBB2_4:
0x3d: {  	_ =	sfence.sel $0x180000  }
0x3e: {  	[bflag:$0x0] =	sbarrier.arrive $0xFFFF  }
0x3f: {  	p0 =	sne.s32 s1, $0x0;
	_ =	strace $0x90000047  }
0x40: {  	s0 =	sadd.s32 @!p0 $0x100000, s0;
	[bflag:$0x2] =	sbarrier.arrive $0xFFFF  }
0x41: {  	[sflag:s0] =	ssyncadd.tile.s32 @!p0 $0x1;
	_ =	shalt  }
.Lfunc_end2:
_tile_overlayer_lowered:
.L_overlay_start_2:
0x42: {  	(tag) =	ssettag $0x2  }
0x43: {  	s0 =	rddreg [dreg:$0x0];
	s2 =	stileid.u32  }
0x44: {  	s1 =	rddreg [dreg:$0x1];
	p0 =	sne.s32 s2, $0x0  }
0x45: {  	s3 =	rddreg [dreg:$0x2];
	[bflag:$0x3] =	sbarrier.arrive $0xFFFF;
	s2 =	simm.s32 @!p0 $0x1C02  }
0x46: {  	[timem:s3], [sflag:s2] =	dma.local @!p0 [hbm:s0], s1  }
0x47: {  	s0 =	simm.s32 @!p0 $0x2  }
0x48: {  	_ =	swait.ge @!p0 [sflag:s0], s1  }
0x49: {  	s1 =	ssub.s32 @!p0 $0x0, s1;
	[sflag:s0] =	ssyncset.done @!p0 $0x0  }
0x4a: {  	[sflag:s0] =	ssyncadd.s32 @!p0 s1  }
0x4b: {  	[bflag:$0x3] =	sbarrier.arrive $0xFFFF  }
0x4c: {  	_ =	shalt  }

// kernel: kernel.13.cloned.1.call-start
scs
__scs_entry_jumppad:
0x0: {  	(pc) =	sbr.rel $0x88, $3  }
0x1: {  	(tag) =	ssettag $0x0;
	lr =	simm.s32 $0x1  }
0x2: {  	[smem:$0x3F9B] =	sst lr;
	_ =	strace $0xD0000000  }
0x3: {  	_ = 	snop  }
0x4: {  	_ = 	snop  }
0x5: {  	_ = 	snop  }
0x6: {  	_ = 	snop  }
0x7: {  	_ = 	snop  }
__scs_overlays_trampoline_lowered:
0x8: {  	[smem:$0x3FAA] =	sst s0  }
0x9: {  	[smem:$0x3FAB] =	sst s1  }
0xa: {  	[smem:$0x3FAC] =	sst s2  }
0xb: {  	[smem:$0x3FAD] =	sst s3  }
0xc: {  	[smem:$0x3FAE] =	sst s4  }
0xd: {  	[smem:$0x3FAF] =	sst s5  }
0xe: {  	[smem:$0x3FB0] =	sst s6  }
0xf: {  	[smem:$0x3FB1] =	sst s7  }
0x10: {  	[smem:$0x3FB2] =	sst s8  }
0x11: {  	[smem:$0x3FB3] =	sst s9;
	s0 =	simm.s32 @!p0 $0x0  }
0x12: {  	s1 =	sld [smem:$0x3F99];
	s0 =	simm.s32 @p0 $0x1  }
0x13: {  	[smem:$0x3FB4] =	sst s0;
	s0 =	simm.s32 @!p1 $0x0  }
0x14: {  	s2 =	sld [smem:$0x3F98];
	s0 =	simm.s32 @p1 $0x1  }
0x15: {  	[smem:$0x3FB5] =	sst s0;
	s0 =	simm.s32 @!p2 $0x0  }
0x16: {  	s3 =	sld [smem:$0x3FDB];
	s0 =	simm.s32 @p2 $0x1  }
0x17: {  	s4 =	simm.s32 $0x1BF5;
	[smem:$0x3FB7] =	sst s0  }
0x18: {  	s0 =	sld [smem:$0x3F9A];
	_ =	swait.ge [sflag:s4], $0x0  }
0x19: {  	s7 =	sld [smem:$0x3F9B]  }
0x1a: {  	s8 =	sadd.s32 $0xFFFFE003, lr  }
0x1b: {  	s9 =	sadd.s32 $0xFFFFFEF7, lr;
	s5 =	simm.s32 $0xFFFFFFFF;
	p2 =	slt.u32 s8, $0xFFFFF086  }
0x1c: {  	p1 =	slt.u32 s9, $0xF7A;
	s5 =	simm.s32 @!p2 $0x0  }
0x1d: {  	s5 =	simm.s32 @p1 $0x1;
	p0 =	seq.s32 s7, s2  }
0x1e: {  	s7 =	smul.u32 @!p0 $0xF7A, s2;
	p2 =	seq.s32 @!p0 s5, $0x0  }
0x1f: {  	s9 =	smul.u32 $0xF7A, s1;
	s8 =	simm.s32 @!p0 $0x1BF5;
	p2 =	por !p2, p0  }
0x20: {  	[sflag:s8] =	ssyncset.s32 @!p0 $0xFFFFF086;
	s6 =	sadd.s32 @!p0 s3, s7;
	s7 =	simm.s32 @!p0 $0x108  }
0x21: {  	s3 =	sadd.s32 s3, s9;
	s6 =	sadd.s32 @!p0 $0x88, s6;
	s7 =	simm.s32 @p2 $0x1082  }
0x22: {  	[simem:s7], [sflag:s8] =	dma.local @!p0 [hbm:s6], $0xF7A  }
0x23: {  	s9 =	sor.u32 $0xD0000000, s2;
	s6 =	simm.s32 $0x108;
	_ =	swait.ge @!p0 [sflag:s8], $0x0  }
0x24: {  	s3 =	sadd.s32 $0x88, s3;
	s6 =	simm.s32 @!p1 $0x1082;
	[sflag:s4] =	ssyncset.s32 $0xFFFFF086  }
0x25: {  	[simem:s6], [sflag:s4] =	dma.local [hbm:s3], $0xF7A  }
0x26: {  	[smem:$0x3F9B] =	sst s1;
	(tag) =	ssettag s2;
	_ =	strace s9  }
0x27: {  	s1 =	sld [smem:$0x3FAB]  }
0x28: {  	s2 =	sld [smem:$0x3FAC]  }
0x29: {  	s4 =	sld [smem:$0x3FAE]  }
0x2a: {  	p0 =	seq.s32 s5, $0x0;
	s5 =	sld [smem:$0x3FAF]  }
0x2b: {  	s6 =	sld [smem:$0x3FB0]  }
0x2c: {  	s7 =	sld [smem:$0x3FB1]  }
0x2d: {  	s3 =	simm.s32 $0x108;
	s8 =	sld [smem:$0x3FB2]  }
0x2e: {  	s3 =	simm.s32 @!p0 $0x1082;
	s9 =	sld [smem:$0x3FB3]  }
0x2f: {  	lr =	sadd.s32 s0, s3;
	s0 =	sld [smem:$0x3FAA]  }
0x30: {  	s3 =	sld [smem:$0x3FAD]  }
0x31: {  	[smem:$0x3FB6] =	sst s10  }
0x32: {  	s10 =	sld [smem:$0x3FB4];
	_ =	sdelay $0x3  }
0x33: {  	p0 =	seq.s32 s10, $0x1;
	s10 =	sld [smem:$0x3FB6];
	_ =	sdelay $0x3  }
0x34: {  	[smem:$0x3FB6] =	sst s10  }
0x35: {  	s10 =	sld [smem:$0x3FB5];
	_ =	sdelay $0x3  }
0x36: {  	p1 =	seq.s32 s10, $0x1;
	s10 =	sld [smem:$0x3FB6];
	_ =	sdelay $0x3  }
0x37: {  	[smem:$0x3FB6] =	sst s10  }
0x38: {  	s10 =	sld [smem:$0x3FB7]  }
0x39: {  	_ = 	snop;
	(pc) =	sbr.ind lr, $3  }
0x3a: {  	_ = 	snop  }
0x3b: {  	_ = 	snop  }
0x3c: {  	p2 =	seq.s32 s10, $0x1;
	s10 =	sld [smem:$0x3FB6]  }
0x3d: {  	_ =	shalt  }
0x3e: {  	_ =	shalt  }
0x3f: {  	_ =	shalt  }
0x40: {  	_ =	shalt  }
0x41: {  	_ =	shalt  }
0x42: {  	_ =	shalt  }
0x43: {  	_ =	shalt  }
0x44: {  	_ =	shalt  }
0x45: {  	_ =	shalt  }
0x46: {  	_ =	shalt  }
0x47: {  	_ =	shalt  }
0x48: {  	_ =	shalt  }
0x49: {  	_ =	shalt  }
0x4a: {  	_ =	shalt  }
0x4b: {  	_ =	shalt  }
0x4c: {  	_ =	shalt  }
0x4d: {  	_ =	shalt  }
0x4e: {  	_ =	shalt  }
0x4f: {  	_ =	shalt  }
0x50: {  	_ =	shalt  }
0x51: {  	_ =	shalt  }
0x52: {  	_ =	shalt  }
0x53: {  	_ =	shalt  }
0x54: {  	_ =	shalt  }
0x55: {  	_ =	shalt  }
0x56: {  	_ =	shalt  }
0x57: {  	_ =	shalt  }
0x58: {  	_ =	shalt  }
0x59: {  	_ =	shalt  }
0x5a: {  	_ =	shalt  }
0x5b: {  	_ =	shalt  }
0x5c: {  	_ =	shalt  }
0x5d: {  	_ =	shalt  }
0x5e: {  	_ =	shalt  }
0x5f: {  	_ =	shalt  }
0x60: {  	_ =	shalt  }
0x61: {  	_ =	shalt  }
0x62: {  	_ =	shalt  }
0x63: {  	_ =	shalt  }
0x64: {  	_ =	shalt  }
0x65: {  	_ =	shalt  }
0x66: {  	_ =	shalt  }
0x67: {  	_ =	shalt  }
0x68: {  	_ =	shalt  }
0x69: {  	_ =	shalt  }
0x6a: {  	_ =	shalt  }
0x6b: {  	_ =	shalt  }
0x6c: {  	_ =	shalt  }
0x6d: {  	_ =	shalt  }
0x6e: {  	_ =	shalt  }
0x6f: {  	_ =	shalt  }
0x70: {  	_ =	shalt  }
0x71: {  	_ =	shalt  }
0x72: {  	_ =	shalt  }
0x73: {  	_ =	shalt  }
0x74: {  	_ =	shalt  }
0x75: {  	_ =	shalt  }
0x76: {  	_ =	shalt  }
0x77: {  	_ =	shalt  }
0x78: {  	_ =	shalt  }
0x79: {  	_ =	shalt  }
0x7a: {  	_ =	shalt  }
0x7b: {  	_ =	shalt  }
0x7c: {  	_ =	shalt  }
0x7d: {  	_ =	shalt  }
0x7e: {  	_ =	shalt  }
0x7f: {  	_ =	shalt  }
0x80: {  	_ =	shalt  }
0x81: {  	_ =	shalt  }
0x82: {  	_ =	shalt  }
0x83: {  	_ =	shalt  }
0x84: {  	_ =	shalt  }
0x85: {  	_ =	shalt  }
0x86: {  	_ =	shalt  }
0x87: {  	_ =	shalt  }
.Lfunc_end0:
.L_simem_size_0:
called_computation.1_lowered:
.L_overlay_start_0:
0x88: {  	s2 =	sld [smem:$0x3FD9]  }
0x89: {  	s3 =	sld [smem:$0x3FFE];
	_ =	sdelay $0x1  }
0x8a: {  	s1 =	srdreg.scid  }
0x8b: {  	s0 =	sand.u32 $0x1, s1  }
0x8c: {  	s14 =	sshll.u32 s0, $0xA;
	s2 =	sadd.s32 s3, s2  }
0x8d: {  	s2 =	sadd.s32 s2, s14  }
0x8e: {  	[smem:$0x3FC2] =	sst s2  }
0x8f: {  	_ = 	snop  }
0x90: {  	s2 =	sld [smem:$0x3FD0];
	_ =	sdelay $0x2  }
0x91: {  	s15 =	simm.s32 $0xA;
	s4 =	simm.s32 $0x10  }
0x92: {  	[smem:s4], [sflag:s15] =	dma.local [hbm:s2], $0x1  }
0x93: {  	_ =	swait.eq [sflag:s15], $0x1  }
0x94: {  	[sflag:s15] =	ssyncset.done $0x0  }
0x95: {  	[sflag:s15] =	ssyncadd.s32 $0xFFFFFFFF  }
0x96: {  	s16 =	sld [smem:$0x11];
	(tm) =	ssettm $0x1  }
0x97: {  	s17 =	sld [smem:$0x3FFB];
	_ =	sdelay $0x3  }
0x98: {  	_ =	strace s17  }
0x99: {  	s3 =	sld [smem:$0x3FFC];
	_ =	sdelay $0x3  }
0x9a: {  	_ =	strace s3  }
0x9b: {  	s3 =	sld [smem:$0x3FFD];
	_ =	sdelay $0x3  }
0x9c: {  	_ =	strace s3  }
0x9d: {  	_ =	strace $0x8FFFFFFF  }
0x9e: {  	s18 =	sld [smem:$0x3FDB];
	_ =	sdelay $0x1  }
0x9f: {  	s19 =	simm.s32 $_scs_section_size  }
0xa0: {  	s5 =	simm.s32 $_size__tile_overlayer_lowered;
	s6 =	simm.s32 $_tile_overlayer_lowered  }
0xa1: {  	s22 =	simm.s32 $0x1BFF;
	s21 =	sshll.u32 s6, $0x1;
	s3 =	sadd.s32 s19, s18  }
0xa2: {  	s7 =	simm.s32 $0x0;
	s20 =	sshll.u32 s5, $0x1;
	s5 =	sadd.s32 s21, s3  }
0xa3: {  	[timem:s7], [sflag:s22] =	dma.local [hbm:s5], s20  }
0xa4: {  	_ =	swait.ge [sflag:s22], s20  }
0xa5: {  	s4 =	ssub.s32 $0x0, s20;
	[sflag:s22] =	ssyncset.done $0x0  }
0xa6: {  	[sflag:s22] =	ssyncadd.s32 s4;
	_ =	sdelay $0x1  }
0xa7: {  	s23 =	simm.s32 $0x1B8B  }
0xa8: {  	_ =	swait.ge [sflag:s23], $0x1  }
0xa9: {  	[sflag:s23] =	ssyncset.done $0x0  }
0xaa: {  	s25 =	simm.s32 $0x1B8E;
	s24 =	sld [smem:$0x3FFE];
	[sflag:s23] =	ssyncadd.s32 $0xFFFFFFFF  }
0xab: {  	s26 =	simm.s32 $execute0_lowered;
	[smem:$0x3FD2] =	sst s25  }
0xac: {  	s5 =	sshll.u32 s26, $0x1;
	_ =	strace $0x80000049;
	[dreg:$0x1] =	wrdreg $0xFFFFFFFF  }
0xad: {  	s28 =	simm.s32 $_size_execute0_lowered;
	s3 =	sadd.s32 s3, s5;
	[dreg:$0x0] =	wrdreg $0x0  }
0xae: {  	s5 =	sshll.u32 s28, $0x1;
	[dreg:$0x2] =	wrdreg s3  }
0xaf: {  	[dreg:$0x3] =	wrdreg s5  }
0xb0: {  	[dreg:$0x4] =	wrdreg $0xC0  }
0xb1: {  	_ =	task [dreg:s7], $0x5FFFF  }
0xb2: {  	[dreg:$0x1] =	wrdreg $0xFFFFFFFF  }
0xb3: {  	[dreg:$0x0] =	wrdreg $0x60  }
0xb4: {  	[dreg:$0x2] =	wrdreg s24  }
0xb5: {  	[dreg:$0x3] =	wrdreg s16  }
0xb6: {  	[dreg:$0x4] =	wrdreg $0x9  }
0xb7: {  	_ =	task.clear_ibuf [dreg:s7], $0x5FFFF;
	_ =	strace $0x90000049  }
0xb8: {  	s29 =	simm.s32 $0x9;
	_ =	strace $0x8000004B  }
0xb9: {  	_ =	swait.ge [sflag:s29], $0x1  }
0xba: {  	[sflag:s29] =	ssyncadd.s32 $0xFFFFFFFF  }
0xbb: {  	_ =	strace $0x9000004B  }
0xbc: {  	_ =	sfence  }
0xbd: {  	s30 =	sld [smem:$0x0];
	_ =	sdelay $0x2  }
0xbe: {  	s31 =	sshll.u32 s1, $0xD;
	s1 =	sshrl.u32 s1, $0x2  }
0xbf: {  	s3 =	sand.u32 $0x4000, s31;
	s1 =	sadd.s32 s1, s30  }
0xc0: {  	s0 =	sor.u32 s3, s0;
	s1 =	sshll.u32 s1, $0x11  }
0xc1: {  	s0 =	sor.u32 s1, s0  }
0xc2: {  	s0 =	sadd.s32 $0x8F2B, s0  }
0xc3: {  	[sflag:s0] =	ssyncadd.remote.s32 $0x1  }
0xc4: {  	_ =	sfence.sel $0xFFFF  }
0xc5: {  	[dreg:$0x0] =	wrdreg $0xFFFFFFFF;
	(pc) =	sbr.abs _section_cstart, $3  }
0xc6: {  	[dreg:$0x1] =	wrdreg $0xFFFFFFFF  }
0xc7: {  	_ =	task.clear_ibuf [dreg:s7], $0x2FFFF;
	_ =	strace $0x9FFFFFFF  }
0xc8: {  	(tm) =	ssettm $0x7FFFFFFF  }
0xc9: {  	_ =	shalt  }
tec
execute0_lowered:
.L_overlay_start_1:
0x0: {  	(tag) =	ssettag $0x1  }
0x1: {  	s1 =	srdreg.scid;
	s0 =	stileid.u32  }
0x2: {  	s11 =	sand.u32 $0x1, s1;
	s28 =	sshll.u32 s0, $0x1  }
0x3: {  	s5 =	rddreg [dreg:$0x0];
	s9 =	sor.u32 s11, s28  }
0x4: {  	s12 =	rddreg [dreg:$0x1];
	s10 =	smul.u32 $0xE0, s9  }
0x5: {  	s2 =	simm.s32 $0x0;
	s1 =	rddreg [dreg:$0x2]  }
0x6: {  	[smem:$0x7FF] =	sst s2;
	s13 =	sadd.s32 $0x18B000, s5;
	s3 =	sshrl.u32 s10, $0x3  }
0x7: {  	_ =	strace $0x8000004A;
	s4 =	sadd.s32 s13, s3;
	s3 =	simm.s32 $0x2  }
0x8: {  	[tilespmem:s2], [sflag:$0x2] =	stream.linear.gather [hbm4b:s4+s2], $0x70, $0x38;
	[tilespmem:$0x3880] =	vst v63  }
0x9: {  	_ =	swait.ge [sflag:s3], $0x70  }
0xa: {  	s6 =	simm.s32 $0x70;
	s7 =	simm.s32 $0x80;
	[sflag:s3] =	ssyncset.done $0x0  }
0xb: {  	s8 =	simm.s32 $0x1;
	s5 =	sadd.s32 $0xC7000, s5;
	[sflag:s3] =	ssyncadd.s32 $0xFFFFFF90  }
0xc: {  	[tilespmem:s7], [sflag:$0x1] =	stream.indirect.gather [hbm4b:s5+s6], $0x80, s2, s6, $0xb8;
	[tilespmem:$0x3880] =	vst v63  }
0xd: {  	s9 =	smul.u32 $0xE00, s9;
	_ =	swait.ge [sflag:s8], $0x3800  }
0xe: {  	[sflag:s8] =	ssyncset.done $0x0  }
0xf: {  	s9 =	sadd.s32 s12, s9;
	[sflag:s8] =	ssyncadd.s32 $0xFFFFC800  }
0x10: {  	[hbm4b:s9+s2] =	stream.linear.scatter [tilespmem:s7], [sflag:$0x2], $0x3800, $0x38;
	[tilespmem:$0x3880] =	vst v63  }
0x11: {  	s14 =	sadd.s32 $0x70, s10;
	_ =	swait.ge [sflag:s3], $0x3800  }
0x12: {  	s10 =	sshrl.u32 s14, $0x3;
	[sflag:s3] =	ssyncset.done $0x0  }
0x13: {  	s11 =	ssub.s32 $0x2, s11;
	s10 =	sadd.s32 s13, s10;
	[sflag:s3] =	ssyncadd.s32 $0xFFFFC800  }
0x14: {  	[tilespmem:s2], [sflag:$0x2] =	stream.linear.gather [hbm4b:s10+s2], $0x70, $0x38;
	[tilespmem:$0x3880] =	vst v63  }
0x15: {  	s29 =	sshrl.u32 s11, $0x1;
	_ =	swait.ge [sflag:s3], $0x70  }
0x16: {  	s13 =	ssub.s32 s11, s29;
	[sflag:s3] =	ssyncset.done $0x0  }
0x17: {  	s31 =	smax.u32 s13, $0x1;
	[sflag:s3] =	ssyncadd.s32 $0xFFFFFF90  }
0x18: {  	[tilespmem:s7], [sflag:$0x1] =	stream.indirect.gather [hbm4b:s5+s6], $0x80, s2, s6, $0xb8;
	[tilespmem:$0x3880] =	vst v63  }
0x19: {  	p0 =	sne.s32 s31, $0x1;
	_ =	swait.ge [sflag:s8], $0x3800  }
.Ltmp0:
0x1a: {  	s30 =	sshll.u32 s14, $0x4;
	[sflag:s8] =	ssyncset.done $0x0;
	(pc) =	sbr.rel @!p0 .LBB2_2-.Ltmp0, $4  }
0x1b: {  	s11 =	sadd.s32 s12, s30;
	[sflag:s8] =	ssyncadd.s32 $0xFFFFC800  }
0x1c: {  	[hbm4b:s11+s2] =	stream.linear.scatter [tilespmem:s7], [sflag:$0x2], $0x3800, $0x38;
	[tilespmem:$0x3880] =	vst v63  }
0x1d: {  	_ =	swait.ge [sflag:s3], $0x3800  }
0x1e: {  	s12 =	sadd.s32 $0xFFFFFFFF, s31;
	[sflag:s3] =	ssyncset.done $0x0  }
.LBB2_1:
0x1f: {  	p0 =	sne.s32 s12, $0x1;
	s12 =	sadd.s32 $0xFFFFFFFF, s12;
	[sflag:s3] =	ssyncadd.s32 $0xFFFFC800  }
0x20: {  	[tilespmem:s2], [sflag:$0x2] =	stream.linear.gather [hbm4b:s4+s2], $0x70, $0x38;
	[tilespmem:$0x3880] =	vst v63  }
0x21: {  	_ =	swait.ge [sflag:s3], $0x70  }
0x22: {  	[sflag:s3] =	ssyncset.done $0x0  }
0x23: {  	[sflag:s3] =	ssyncadd.s32 $0xFFFFFF90  }
0x24: {  	[tilespmem:s7], [sflag:$0x1] =	stream.indirect.gather [hbm4b:s5+s6], $0x80, s2, s6, $0xb8;
	[tilespmem:$0x3880] =	vst v63  }
0x25: {  	_ =	swait.ge [sflag:s8], $0x3800  }
0x26: {  	[sflag:s8] =	ssyncset.done $0x0  }
0x27: {  	[sflag:s8] =	ssyncadd.s32 $0xFFFFC800  }
0x28: {  	[hbm4b:s9+s2] =	stream.linear.scatter [tilespmem:s7], [sflag:$0x2], $0x3800, $0x38;
	[tilespmem:$0x3880] =	vst v63  }
0x29: {  	_ =	swait.ge [sflag:s3], $0x3800  }
0x2a: {  	[sflag:s3] =	ssyncset.done $0x0  }
0x2b: {  	[sflag:s3] =	ssyncadd.s32 $0xFFFFC800  }
0x2c: {  	[tilespmem:s2], [sflag:$0x2] =	stream.linear.gather [hbm4b:s10+s2], $0x70, $0x38;
	[tilespmem:$0x3880] =	vst v63  }
0x2d: {  	_ =	swait.ge [sflag:s3], $0x70  }
0x2e: {  	[sflag:s3] =	ssyncset.done $0x0  }
0x2f: {  	[sflag:s3] =	ssyncadd.s32 $0xFFFFFF90  }
0x30: {  	[tilespmem:s7], [sflag:$0x1] =	stream.indirect.gather [hbm4b:s5+s6], $0x80, s2, s6, $0xb8;
	[tilespmem:$0x3880] =	vst v63  }
0x31: {  	_ =	swait.ge [sflag:s8], $0x3800  }
.Ltmp1:
0x32: {  	[sflag:s8] =	ssyncset.done $0x0;
	(pc) =	sbr.rel @p0 .LBB2_1-.Ltmp1, $4  }
0x33: {  	[sflag:s8] =	ssyncadd.s32 $0xFFFFC800  }
0x34: {  	[hbm4b:s11+s2] =	stream.linear.scatter [tilespmem:s7], [sflag:$0x2], $0x3800, $0x38;
	[tilespmem:$0x3880] =	vst v63  }
0x35: {  	_ =	swait.ge [sflag:s3], $0x3800  }
0x36: {  	[sflag:s3] =	ssyncset.done $0x0  }
.LBB2_2:
0x37: {  	[sflag:s3] =	ssyncadd.s32 $0xFFFFC800  }
0x38: {  	_ =	sfence.sel $0x180000  }
0x39: {  	[bflag:$0x0] =	sbarrier.arrive $0xFFFF  }
0x3a: {  	p0 =	sne.s32 s0, $0x0;
	_ =	strace $0x9000004A  }
0x3b: {  	s0 =	sadd.s32 @!p0 $0x100000, s1;
	[bflag:$0x2] =	sbarrier.arrive $0xFFFF  }
0x3c: {  	[sflag:s0] =	ssyncadd.tile.s32 @!p0 $0x1;
	_ =	shalt  }
.Lfunc_end2:
_tile_overlayer_lowered:
.L_overlay_start_2:
0x3d: {  	(tag) =	ssettag $0x2  }
0x3e: {  	s0 =	rddreg [dreg:$0x0];
	s2 =	stileid.u32  }
0x3f: {  	s1 =	rddreg [dreg:$0x1];
	p0 =	sne.s32 s2, $0x0  }
0x40: {  	s3 =	rddreg [dreg:$0x2];
	[bflag:$0x3] =	sbarrier.arrive $0xFFFF;
	s2 =	simm.s32 @!p0 $0x1C02  }
0x41: {  	[timem:s3], [sflag:s2] =	dma.local @!p0 [hbm:s0], s1  }
0x42: {  	s0 =	simm.s32 @!p0 $0x2  }
0x43: {  	_ =	swait.ge @!p0 [sflag:s0], s1  }
0x44: {  	s1 =	ssub.s32 @!p0 $0x0, s1;
	[sflag:s0] =	ssyncset.done @!p0 $0x0  }
0x45: {  	[sflag:s0] =	ssyncadd.s32 @!p0 s1  }
0x46: {  	[bflag:$0x3] =	sbarrier.arrive $0xFFFF  }
0x47: {  	_ =	shalt  }

// kernel: kernel.16.cloned.1.call-start
scs
__scs_entry_jumppad:
0x0: {  	(pc) =	sbr.rel $0x88, $3  }
0x1: {  	(tag) =	ssettag $0x0;
	lr =	simm.s32 $0x1  }
0x2: {  	[smem:$0x3F9B] =	sst lr;
	_ =	strace $0xD0000000  }
0x3: {  	_ = 	snop  }
0x4: {  	_ = 	snop  }
0x5: {  	_ = 	snop  }
0x6: {  	_ = 	snop  }
0x7: {  	_ = 	snop  }
__scs_overlays_trampoline_lowered:
0x8: {  	[smem:$0x3FAA] =	sst s0  }
0x9: {  	[smem:$0x3FAB] =	sst s1  }
0xa: {  	[smem:$0x3FAC] =	sst s2  }
0xb: {  	[smem:$0x3FAD] =	sst s3  }
0xc: {  	[smem:$0x3FAE] =	sst s4  }
0xd: {  	[smem:$0x3FAF] =	sst s5  }
0xe: {  	[smem:$0x3FB0] =	sst s6  }
0xf: {  	[smem:$0x3FB1] =	sst s7  }
0x10: {  	[smem:$0x3FB2] =	sst s8  }
0x11: {  	[smem:$0x3FB3] =	sst s9;
	s0 =	simm.s32 @!p0 $0x0  }
0x12: {  	s1 =	sld [smem:$0x3F99];
	s0 =	simm.s32 @p0 $0x1  }
0x13: {  	[smem:$0x3FB4] =	sst s0;
	s0 =	simm.s32 @!p1 $0x0  }
0x14: {  	s2 =	sld [smem:$0x3F98];
	s0 =	simm.s32 @p1 $0x1  }
0x15: {  	[smem:$0x3FB5] =	sst s0;
	s0 =	simm.s32 @!p2 $0x0  }
0x16: {  	s3 =	sld [smem:$0x3FDB];
	s0 =	simm.s32 @p2 $0x1  }
0x17: {  	s4 =	simm.s32 $0x1BF5;
	[smem:$0x3FB7] =	sst s0  }
0x18: {  	s0 =	sld [smem:$0x3F9A];
	_ =	swait.ge [sflag:s4], $0x0  }
0x19: {  	s7 =	sld [smem:$0x3F9B]  }
0x1a: {  	s8 =	sadd.s32 $0xFFFFE003, lr  }
0x1b: {  	s9 =	sadd.s32 $0xFFFFFEF7, lr;
	s5 =	simm.s32 $0xFFFFFFFF;
	p2 =	slt.u32 s8, $0xFFFFF086  }
0x1c: {  	p1 =	slt.u32 s9, $0xF7A;
	s5 =	simm.s32 @!p2 $0x0  }
0x1d: {  	s5 =	simm.s32 @p1 $0x1;
	p0 =	seq.s32 s7, s2  }
0x1e: {  	s7 =	smul.u32 @!p0 $0xF7A, s2;
	p2 =	seq.s32 @!p0 s5, $0x0  }
0x1f: {  	s9 =	smul.u32 $0xF7A, s1;
	s8 =	simm.s32 @!p0 $0x1BF5;
	p2 =	por !p2, p0  }
0x20: {  	[sflag:s8] =	ssyncset.s32 @!p0 $0xFFFFF086;
	s6 =	sadd.s32 @!p0 s3, s7;
	s7 =	simm.s32 @!p0 $0x108  }
0x21: {  	s3 =	sadd.s32 s3, s9;
	s6 =	sadd.s32 @!p0 $0x88, s6;
	s7 =	simm.s32 @p2 $0x1082  }
0x22: {  	[simem:s7], [sflag:s8] =	dma.local @!p0 [hbm:s6], $0xF7A  }
0x23: {  	s9 =	sor.u32 $0xD0000000, s2;
	s6 =	simm.s32 $0x108;
	_ =	swait.ge @!p0 [sflag:s8], $0x0  }
0x24: {  	s3 =	sadd.s32 $0x88, s3;
	s6 =	simm.s32 @!p1 $0x1082;
	[sflag:s4] =	ssyncset.s32 $0xFFFFF086  }
0x25: {  	[simem:s6], [sflag:s4] =	dma.local [hbm:s3], $0xF7A  }
0x26: {  	[smem:$0x3F9B] =	sst s1;
	(tag) =	ssettag s2;
	_ =	strace s9  }
0x27: {  	s1 =	sld [smem:$0x3FAB]  }
0x28: {  	s2 =	sld [smem:$0x3FAC]  }
0x29: {  	s4 =	sld [smem:$0x3FAE]  }
0x2a: {  	p0 =	seq.s32 s5, $0x0;
	s5 =	sld [smem:$0x3FAF]  }
0x2b: {  	s6 =	sld [smem:$0x3FB0]  }
0x2c: {  	s7 =	sld [smem:$0x3FB1]  }
0x2d: {  	s3 =	simm.s32 $0x108;
	s8 =	sld [smem:$0x3FB2]  }
0x2e: {  	s3 =	simm.s32 @!p0 $0x1082;
	s9 =	sld [smem:$0x3FB3]  }
0x2f: {  	lr =	sadd.s32 s0, s3;
	s0 =	sld [smem:$0x3FAA]  }
0x30: {  	s3 =	sld [smem:$0x3FAD]  }
0x31: {  	[smem:$0x3FB6] =	sst s10  }
0x32: {  	s10 =	sld [smem:$0x3FB4];
	_ =	sdelay $0x3  }
0x33: {  	p0 =	seq.s32 s10, $0x1;
	s10 =	sld [smem:$0x3FB6];
	_ =	sdelay $0x3  }
0x34: {  	[smem:$0x3FB6] =	sst s10  }
0x35: {  	s10 =	sld [smem:$0x3FB5];
	_ =	sdelay $0x3  }
0x36: {  	p1 =	seq.s32 s10, $0x1;
	s10 =	sld [smem:$0x3FB6];
	_ =	sdelay $0x3  }
0x37: {  	[smem:$0x3FB6] =	sst s10  }
0x38: {  	s10 =	sld [smem:$0x3FB7]  }
0x39: {  	_ = 	snop;
	(pc) =	sbr.ind lr, $3  }
0x3a: {  	_ = 	snop  }
0x3b: {  	_ = 	snop  }
0x3c: {  	p2 =	seq.s32 s10, $0x1;
	s10 =	sld [smem:$0x3FB6]  }
0x3d: {  	_ =	shalt  }
0x3e: {  	_ =	shalt  }
0x3f: {  	_ =	shalt  }
0x40: {  	_ =	shalt  }
0x41: {  	_ =	shalt  }
0x42: {  	_ =	shalt  }
0x43: {  	_ =	shalt  }
0x44: {  	_ =	shalt  }
0x45: {  	_ =	shalt  }
0x46: {  	_ =	shalt  }
0x47: {  	_ =	shalt  }
0x48: {  	_ =	shalt  }
0x49: {  	_ =	shalt  }
0x4a: {  	_ =	shalt  }
0x4b: {  	_ =	shalt  }
0x4c: {  	_ =	shalt  }
0x4d: {  	_ =	shalt  }
0x4e: {  	_ =	shalt  }
0x4f: {  	_ =	shalt  }
0x50: {  	_ =	shalt  }
0x51: {  	_ =	shalt  }
0x52: {  	_ =	shalt  }
0x53: {  	_ =	shalt  }
0x54: {  	_ =	shalt  }
0x55: {  	_ =	shalt  }
0x56: {  	_ =	shalt  }
0x57: {  	_ =	shalt  }
0x58: {  	_ =	shalt  }
0x59: {  	_ =	shalt  }
0x5a: {  	_ =	shalt  }
0x5b: {  	_ =	shalt  }
0x5c: {  	_ =	shalt  }
0x5d: {  	_ =	shalt  }
0x5e: {  	_ =	shalt  }
0x5f: {  	_ =	shalt  }
0x60: {  	_ =	shalt  }
0x61: {  	_ =	shalt  }
0x62: {  	_ =	shalt  }
0x63: {  	_ =	shalt  }
0x64: {  	_ =	shalt  }
0x65: {  	_ =	shalt  }
0x66: {  	_ =	shalt  }
0x67: {  	_ =	shalt  }
0x68: {  	_ =	shalt  }
0x69: {  	_ =	shalt  }
0x6a: {  	_ =	shalt  }
0x6b: {  	_ =	shalt  }
0x6c: {  	_ =	shalt  }
0x6d: {  	_ =	shalt  }
0x6e: {  	_ =	shalt  }
0x6f: {  	_ =	shalt  }
0x70: {  	_ =	shalt  }
0x71: {  	_ =	shalt  }
0x72: {  	_ =	shalt  }
0x73: {  	_ =	shalt  }
0x74: {  	_ =	shalt  }
0x75: {  	_ =	shalt  }
0x76: {  	_ =	shalt  }
0x77: {  	_ =	shalt  }
0x78: {  	_ =	shalt  }
0x79: {  	_ =	shalt  }
0x7a: {  	_ =	shalt  }
0x7b: {  	_ =	shalt  }
0x7c: {  	_ =	shalt  }
0x7d: {  	_ =	shalt  }
0x7e: {  	_ =	shalt  }
0x7f: {  	_ =	shalt  }
0x80: {  	_ =	shalt  }
0x81: {  	_ =	shalt  }
0x82: {  	_ =	shalt  }
0x83: {  	_ =	shalt  }
0x84: {  	_ =	shalt  }
0x85: {  	_ =	shalt  }
0x86: {  	_ =	shalt  }
0x87: {  	_ =	shalt  }
.Lfunc_end0:
.L_simem_size_0:
called_computation.2_lowered:
.L_overlay_start_0:
0x88: {  	s2 =	sld [smem:$0x3FD9]  }
0x89: {  	s3 =	sld [smem:$0x3FFE];
	_ =	sdelay $0x1  }
0x8a: {  	s1 =	srdreg.scid  }
0x8b: {  	s0 =	sand.u32 $0x1, s1  }
0x8c: {  	s14 =	sshll.u32 s0, $0xA;
	s2 =	sadd.s32 s3, s2  }
0x8d: {  	s2 =	sadd.s32 s2, s14  }
0x8e: {  	[smem:$0x3FC2] =	sst s2  }
0x8f: {  	_ = 	snop  }
0x90: {  	s2 =	sld [smem:$0x3FD0];
	_ =	sdelay $0x2  }
0x91: {  	s15 =	simm.s32 $0xA;
	s4 =	simm.s32 $0x10  }
0x92: {  	[smem:s4], [sflag:s15] =	dma.local [hbm:s2], $0x1  }
0x93: {  	_ =	swait.eq [sflag:s15], $0x1  }
0x94: {  	[sflag:s15] =	ssyncset.done $0x0  }
0x95: {  	[sflag:s15] =	ssyncadd.s32 $0xFFFFFFFF  }
0x96: {  	s16 =	sld [smem:$0x11];
	(tm) =	ssettm $0x1  }
0x97: {  	s17 =	sld [smem:$0x3FFB];
	_ =	sdelay $0x3  }
0x98: {  	_ =	strace s17  }
0x99: {  	s3 =	sld [smem:$0x3FFC];
	_ =	sdelay $0x3  }
0x9a: {  	_ =	strace s3  }
0x9b: {  	s3 =	sld [smem:$0x3FFD];
	_ =	sdelay $0x3  }
0x9c: {  	_ =	strace s3  }
0x9d: {  	_ =	strace $0x8FFFFFFF  }
0x9e: {  	s18 =	sld [smem:$0x3FDB];
	_ =	sdelay $0x1  }
0x9f: {  	s19 =	simm.s32 $_scs_section_size  }
0xa0: {  	s5 =	simm.s32 $_size__tile_overlayer_lowered;
	s6 =	simm.s32 $_tile_overlayer_lowered  }
0xa1: {  	s22 =	simm.s32 $0x1BFF;
	s21 =	sshll.u32 s6, $0x1;
	s3 =	sadd.s32 s19, s18  }
0xa2: {  	s7 =	simm.s32 $0x0;
	s20 =	sshll.u32 s5, $0x1;
	s5 =	sadd.s32 s21, s3  }
0xa3: {  	[timem:s7], [sflag:s22] =	dma.local [hbm:s5], s20  }
0xa4: {  	_ =	swait.ge [sflag:s22], s20  }
0xa5: {  	s4 =	ssub.s32 $0x0, s20;
	[sflag:s22] =	ssyncset.done $0x0  }
0xa6: {  	[sflag:s22] =	ssyncadd.s32 s4;
	_ =	sdelay $0x1  }
0xa7: {  	s23 =	simm.s32 $0x1B8B  }
0xa8: {  	_ =	swait.ge [sflag:s23], $0x1  }
0xa9: {  	[sflag:s23] =	ssyncset.done $0x0  }
0xaa: {  	s25 =	simm.s32 $0x1B8E;
	s24 =	sld [smem:$0x3FFE];
	[sflag:s23] =	ssyncadd.s32 $0xFFFFFFFF  }
0xab: {  	s26 =	simm.s32 $execute0_lowered;
	[smem:$0x3FD2] =	sst s25  }
0xac: {  	s5 =	sshll.u32 s26, $0x1;
	_ =	strace $0x8000004C;
	[dreg:$0x1] =	wrdreg $0xFFFFFFFF  }
0xad: {  	s28 =	simm.s32 $_size_execute0_lowered;
	s3 =	sadd.s32 s3, s5;
	[dreg:$0x0] =	wrdreg $0x0  }
0xae: {  	s5 =	sshll.u32 s28, $0x1;
	[dreg:$0x2] =	wrdreg s3  }
0xaf: {  	[dreg:$0x3] =	wrdreg s5  }
0xb0: {  	[dreg:$0x4] =	wrdreg $0xC0  }
0xb1: {  	_ =	task [dreg:s7], $0x5FFFF  }
0xb2: {  	[dreg:$0x1] =	wrdreg $0xFFFFFFFF  }
0xb3: {  	[dreg:$0x0] =	wrdreg $0x60  }
0xb4: {  	[dreg:$0x2] =	wrdreg s24  }
0xb5: {  	[dreg:$0x3] =	wrdreg s16  }
0xb6: {  	[dreg:$0x4] =	wrdreg $0x9  }
0xb7: {  	_ =	task.clear_ibuf [dreg:s7], $0x5FFFF;
	_ =	strace $0x9000004C  }
0xb8: {  	s29 =	simm.s32 $0x9;
	_ =	strace $0x8000004E  }
0xb9: {  	_ =	swait.ge [sflag:s29], $0x1  }
0xba: {  	[sflag:s29] =	ssyncadd.s32 $0xFFFFFFFF  }
0xbb: {  	_ =	strace $0x9000004E  }
0xbc: {  	_ =	sfence  }
0xbd: {  	s30 =	sld [smem:$0x0];
	_ =	sdelay $0x2  }
0xbe: {  	s31 =	sshll.u32 s1, $0xD;
	s1 =	sshrl.u32 s1, $0x2  }
0xbf: {  	s3 =	sand.u32 $0x4000, s31;
	s1 =	sadd.s32 s1, s30  }
0xc0: {  	s0 =	sor.u32 s3, s0;
	s1 =	sshll.u32 s1, $0x11  }
0xc1: {  	s0 =	sor.u32 s1, s0  }
0xc2: {  	s0 =	sadd.s32 $0x8F2B, s0  }
0xc3: {  	[sflag:s0] =	ssyncadd.remote.s32 $0x1  }
0xc4: {  	_ =	sfence.sel $0xFFFF  }
0xc5: {  	[dreg:$0x0] =	wrdreg $0xFFFFFFFF;
	(pc) =	sbr.abs _section_cstart, $3  }
0xc6: {  	[dreg:$0x1] =	wrdreg $0xFFFFFFFF  }
0xc7: {  	_ =	task.clear_ibuf [dreg:s7], $0x2FFFF;
	_ =	strace $0x9FFFFFFF  }
0xc8: {  	(tm) =	ssettm $0x7FFFFFFF  }
0xc9: {  	_ =	shalt  }
tec
execute0_lowered:
.L_overlay_start_1:
0x0: {  	(tag) =	ssettag $0x1  }
0x1: {  	s1 =	srdreg.scid;
	s0 =	stileid.u32  }
0x2: {  	s10 =	sand.u32 $0x1, s1;
	s28 =	sshll.u32 s0, $0x1  }
0x3: {  	s5 =	rddreg [dreg:$0x0];
	s8 =	sor.u32 s10, s28  }
0x4: {  	s11 =	rddreg [dreg:$0x1];
	s9 =	smul.u32 $0xE0, s8  }
0x5: {  	s2 =	simm.s32 $0x0;
	s1 =	rddreg [dreg:$0x2]  }
0x6: {  	[smem:$0x7FF] =	sst s2;
	s12 =	sadd.s32 $0xC7000, s5;
	s3 =	sshrl.u32 s9, $0x3  }
0x7: {  	_ =	strace $0x8000004D;
	s4 =	sadd.s32 s12, s3;
	s3 =	simm.s32 $0x2  }
0x8: {  	[tilespmem:s2], [sflag:$0x2] =	stream.linear.gather [hbm4b:s4+s2], $0x70, $0x38;
	[tilespmem:$0x770] =	vst v63  }
0x9: {  	_ =	swait.ge [sflag:s3], $0x70  }
0xa: {  	s6 =	simm.s32 $0x70;
	[sflag:s3] =	ssyncset.done $0x0  }
0xb: {  	s7 =	simm.s32 $0x1;
	s5 =	sadd.s32 $0x18B400, s5;
	[sflag:s3] =	ssyncadd.s32 $0xFFFFFF90  }
0xc: {  	[tilespmem:s6], [sflag:$0x1] =	stream.indirect.gather [hbm4b:s5+s6], $0x10, s2, s6, $0xb8;
	[tilespmem:$0x770] =	vst v63  }
0xd: {  	s8 =	smul.u32 $0x1C0, s8;
	_ =	swait.ge [sflag:s7], $0x700  }
0xe: {  	[sflag:s7] =	ssyncset.done $0x0  }
0xf: {  	s8 =	sadd.s32 s11, s8;
	[sflag:s7] =	ssyncadd.s32 $0xFFFFF900  }
0x10: {  	[hbm4b:s8+s2] =	stream.linear.scatter [tilespmem:s6], [sflag:$0x2], $0x700, $0x38;
	[tilespmem:$0x770] =	vst v63  }
0x11: {  	s13 =	sadd.s32 $0x70, s9;
	_ =	swait.ge [sflag:s3], $0x700  }
0x12: {  	s9 =	sshrl.u32 s13, $0x3;
	[sflag:s3] =	ssyncset.done $0x0  }
0x13: {  	s10 =	ssub.s32 $0x2, s10;
	s9 =	sadd.s32 s12, s9;
	[sflag:s3] =	ssyncadd.s32 $0xFFFFF900  }
0x14: {  	[tilespmem:s2], [sflag:$0x2] =	stream.linear.gather [hbm4b:s9+s2], $0x70, $0x38;
	[tilespmem:$0x770] =	vst v63  }
0x15: {  	s29 =	sshrl.u32 s10, $0x1;
	_ =	swait.ge [sflag:s3], $0x70  }
0x16: {  	s12 =	ssub.s32 s10, s29;
	[sflag:s3] =	ssyncset.done $0x0  }
0x17: {  	s31 =	smax.u32 s12, $0x1;
	[sflag:s3] =	ssyncadd.s32 $0xFFFFFF90  }
0x18: {  	[tilespmem:s6], [sflag:$0x1] =	stream.indirect.gather [hbm4b:s5+s6], $0x10, s2, s6, $0xb8;
	[tilespmem:$0x770] =	vst v63  }
0x19: {  	p0 =	sne.s32 s31, $0x1;
	_ =	swait.ge [sflag:s7], $0x700  }
.Ltmp0:
0x1a: {  	s30 =	sshll.u32 s13, $0x1;
	[sflag:s7] =	ssyncset.done $0x0;
	(pc) =	sbr.rel @!p0 .LBB2_2-.Ltmp0, $4  }
0x1b: {  	s10 =	sadd.s32 s11, s30;
	[sflag:s7] =	ssyncadd.s32 $0xFFFFF900  }
0x1c: {  	[hbm4b:s10+s2] =	stream.linear.scatter [tilespmem:s6], [sflag:$0x2], $0x700, $0x38;
	[tilespmem:$0x770] =	vst v63  }
0x1d: {  	_ =	swait.ge [sflag:s3], $0x700  }
0x1e: {  	s11 =	sadd.s32 $0xFFFFFFFF, s31;
	[sflag:s3] =	ssyncset.done $0x0  }
.LBB2_1:
0x1f: {  	p0 =	sne.s32 s11, $0x1;
	s11 =	sadd.s32 $0xFFFFFFFF, s11;
	[sflag:s3] =	ssyncadd.s32 $0xFFFFF900  }
0x20: {  	[tilespmem:s2], [sflag:$0x2] =	stream.linear.gather [hbm4b:s4+s2], $0x70, $0x38;
	[tilespmem:$0x770] =	vst v63  }
0x21: {  	_ =	swait.ge [sflag:s3], $0x70  }
0x22: {  	[sflag:s3] =	ssyncset.done $0x0  }
0x23: {  	[sflag:s3] =	ssyncadd.s32 $0xFFFFFF90  }
0x24: {  	[tilespmem:s6], [sflag:$0x1] =	stream.indirect.gather [hbm4b:s5+s6], $0x10, s2, s6, $0xb8;
	[tilespmem:$0x770] =	vst v63  }
0x25: {  	_ =	swait.ge [sflag:s7], $0x700  }
0x26: {  	[sflag:s7] =	ssyncset.done $0x0  }
0x27: {  	[sflag:s7] =	ssyncadd.s32 $0xFFFFF900  }
0x28: {  	[hbm4b:s8+s2] =	stream.linear.scatter [tilespmem:s6], [sflag:$0x2], $0x700, $0x38;
	[tilespmem:$0x770] =	vst v63  }
0x29: {  	_ =	swait.ge [sflag:s3], $0x700  }
0x2a: {  	[sflag:s3] =	ssyncset.done $0x0  }
0x2b: {  	[sflag:s3] =	ssyncadd.s32 $0xFFFFF900  }
0x2c: {  	[tilespmem:s2], [sflag:$0x2] =	stream.linear.gather [hbm4b:s9+s2], $0x70, $0x38;
	[tilespmem:$0x770] =	vst v63  }
0x2d: {  	_ =	swait.ge [sflag:s3], $0x70  }
0x2e: {  	[sflag:s3] =	ssyncset.done $0x0  }
0x2f: {  	[sflag:s3] =	ssyncadd.s32 $0xFFFFFF90  }
0x30: {  	[tilespmem:s6], [sflag:$0x1] =	stream.indirect.gather [hbm4b:s5+s6], $0x10, s2, s6, $0xb8;
	[tilespmem:$0x770] =	vst v63  }
0x31: {  	_ =	swait.ge [sflag:s7], $0x700  }
.Ltmp1:
0x32: {  	[sflag:s7] =	ssyncset.done $0x0;
	(pc) =	sbr.rel @p0 .LBB2_1-.Ltmp1, $4  }
0x33: {  	[sflag:s7] =	ssyncadd.s32 $0xFFFFF900  }
0x34: {  	[hbm4b:s10+s2] =	stream.linear.scatter [tilespmem:s6], [sflag:$0x2], $0x700, $0x38;
	[tilespmem:$0x770] =	vst v63  }
0x35: {  	_ =	swait.ge [sflag:s3], $0x700  }
0x36: {  	[sflag:s3] =	ssyncset.done $0x0  }
.LBB2_2:
0x37: {  	[sflag:s3] =	ssyncadd.s32 $0xFFFFF900  }
0x38: {  	_ =	sfence.sel $0x180000  }
0x39: {  	[bflag:$0x0] =	sbarrier.arrive $0xFFFF  }
0x3a: {  	p0 =	sne.s32 s0, $0x0;
	_ =	strace $0x9000004D  }
0x3b: {  	s0 =	sadd.s32 @!p0 $0x100000, s1;
	[bflag:$0x2] =	sbarrier.arrive $0xFFFF  }
0x3c: {  	[sflag:s0] =	ssyncadd.tile.s32 @!p0 $0x1;
	_ =	shalt  }
.Lfunc_end2:
_tile_overlayer_lowered:
.L_overlay_start_2:
0x3d: {  	(tag) =	ssettag $0x2  }
0x3e: {  	s0 =	rddreg [dreg:$0x0];
	s2 =	stileid.u32  }
0x3f: {  	s1 =	rddreg [dreg:$0x1];
	p0 =	sne.s32 s2, $0x0  }
0x40: {  	s3 =	rddreg [dreg:$0x2];
	[bflag:$0x3] =	sbarrier.arrive $0xFFFF;
	s2 =	simm.s32 @!p0 $0x1C02  }
0x41: {  	[timem:s3], [sflag:s2] =	dma.local @!p0 [hbm:s0], s1  }
0x42: {  	s0 =	simm.s32 @!p0 $0x2  }
0x43: {  	_ =	swait.ge @!p0 [sflag:s0], s1  }
0x44: {  	s1 =	ssub.s32 @!p0 $0x0, s1;
	[sflag:s0] =	ssyncset.done @!p0 $0x0  }
0x45: {  	[sflag:s0] =	ssyncadd.s32 @!p0 s1  }
0x46: {  	[bflag:$0x3] =	sbarrier.arrive $0xFFFF  }
0x47: {  	_ =	shalt  }

</sc_bundles>
